<compile_context>
chip_gen: v7x
topology: tpu7x:2x2x1
jax: 0.10.2.dev20260603
libtpu: 0.0.44.dev20260713+nightly
codegen_flags: <defaults>
</compile_context>

<pallas_src>
import functools

import jax
import jax.numpy as jnp
from jax import lax
from jax.experimental import pallas as pl
from jax.experimental.pallas import tpu as pltpu
from jax.experimental.pallas import tpu_sc as plsc

N = 10000
NP = 10240
D = 128
K = 1000
KP = 1024
E = 320000
EPS = 1e-6
MININT = -(2 ** 31)

HI = jax.lax.Precision.HIGHEST


def _dot2(m, x, dims):
    hi = x.astype(jnp.bfloat16).astype(jnp.float32)
    lo = x - hi
    return (lax.dot_general(m, hi, dims, preferred_element_type=jnp.float32)
            + lax.dot_general(m, lo, dims, preferred_element_type=jnp.float32))

NTILES = 32
ET = E // NTILES
ETP = 10240
CFLAT = KP * KP
CSTRIPE = CFLAT // 16
CBUF = 8192


def _p1_body(nf_ref, w_ref, score_ref, rank_ref, nkl_ref):
    nf = nf_ref[...]
    w = w_ref[...]
    score = lax.dot_general(nf, w, (((1,), (0,)), ((), ())),
                            preferred_element_type=jnp.float32)
    score_ref[...] = score
    rid = lax.broadcasted_iota(jnp.int32, (NP, 1), 0)
    p = jax.nn.sigmoid(score)
    p = jnp.clip(p, EPS, 1.0 - EPS)
    t = p * jnp.log(2.0 * p) + (1.0 - p) * jnp.log(2.0 * (1.0 - p))
    nkl_ref[...] = jnp.reshape(jnp.sum(jnp.where(rid < N, t, 0.0)) / N, (1, 1))
    _p2a_select(jnp.reshape(score, (80, 128)), rank_ref)


def _lane_cumsum_incl(x):
    for k in (1, 2, 4, 8, 16, 32, 64):
        sh = pltpu.roll(x, k, axis=1)
        lid = lax.broadcasted_iota(jnp.int32, x.shape, 1)
        x = x + jnp.where(lid >= k, sh, 0)
    return x


def _prefix_excl(mask_i32):
    incl = _lane_cumsum_incl(mask_i32)
    rowsum = lax.slice(incl, (0, 127), (80, 128)).astype(jnp.float32)
    r0 = lax.broadcasted_iota(jnp.int32, (80, 80), 0)
    r1 = lax.broadcasted_iota(jnp.int32, (80, 80), 1)
    tri = (r0 > r1).astype(jnp.float32)
    offs = lax.dot_general(tri, rowsum, (((1,), (0,)), ((), ())),
                           preferred_element_type=jnp.float32)
    return incl - mask_i32 + offs.astype(jnp.int32)


def _p2a_select(score, rank_ref):
    MINI = jnp.int32(MININT)
    bits = lax.bitcast_convert_type(score, jnp.int32)
    sk = jnp.where(bits >= 0, bits, bits ^ jnp.int32(0x7FFFFFFF))
    rid = lax.broadcasted_iota(jnp.int32, (80, 128), 0)
    lid = lax.broadcasted_iota(jnp.int32, (80, 128), 1)
    flat = rid * 128 + lid
    sk = jnp.where(flat < N, sk, MINI)

    def body(i, tu):
        bit = lax.shift_left(jnp.int32(1), 31 - i)
        cand_u = tu | bit
        cand_s = cand_u ^ MINI
        cnt = jnp.sum((sk >= cand_s).astype(jnp.int32))
        return jnp.where(cnt >= K, cand_u, tu)

    tu = lax.fori_loop(0, 32, body, jnp.int32(0))
    ts = tu ^ MINI
    gt = sk > ts
    eq = sk == ts
    c_gt = jnp.sum(gt.astype(jnp.int32))
    need = K - c_gt
    pgt = _prefix_excl(gt.astype(jnp.int32))
    peq = _prefix_excl(eq.astype(jnp.int32))
    rank = jnp.where(gt, pgt, jnp.int32(-1))
    rank = jnp.where(eq & (peq < need), c_gt + peq, rank)
    rank_ref[...] = rank


def _p2b_body(rank_ref, nf_ref, payx_ref, anch_ref, anchx_ref, akl_ref):
    i = pl.program_id(0)

    @pl.when(i == 0)
    def _():
        anch_ref[...] = jnp.zeros_like(anch_ref)
        anchx_ref[...] = jnp.zeros_like(anchx_ref)

    r = rank_ref[...]
    lane = lax.broadcasted_iota(jnp.int32, (1024, KP), 1)
    m = (r == lane).astype(jnp.float32)
    dims = (((0,), (0,)), ((), ()))
    anch_ref[...] += _dot2(m, nf_ref[...], dims)
    anchx_ref[...] += lax.dot_general(m, payx_ref[...], dims, precision=HI,
                                      preferred_element_type=jnp.float32)

    @pl.when(i == pl.num_programs(0) - 1)
    def _():
        sc = anchx_ref[:, 3:4]
        gate = jax.nn.sigmoid(sc)
        anch_ref[...] = anch_ref[...] * gate
        rowk = lax.broadcasted_iota(jnp.int32, (KP, 1), 0)
        g = jnp.clip(gate, EPS, 1.0 - EPS)
        t = g * jnp.log(2.0 * g) + (1.0 - g) * jnp.log(2.0 * (1.0 - g))
        akl_ref[...] = jnp.reshape(jnp.sum(jnp.where(rowk < K, t, 0.0)) / K, (1, 1))


def _p3_body(nx_ref, ax_ref, asg_ref):
    x = nx_ref[...]
    a = ax_ref[...]
    xy = lax.dot_general(x, a, (((1,), (0,)), ((), ())),
                         preferred_element_type=jnp.float32)
    sx = jnp.sum(x * x, axis=1, keepdims=True)
    sa = jnp.sum(a * a, axis=0, keepdims=True)
    d2 = (sx + sa) - 2.0 * xy
    lane = lax.broadcasted_iota(jnp.int32, d2.shape, 1)
    d2 = d2 + jnp.where(lane >= K, jnp.float32(3.0e38), jnp.float32(0.0))
    mn = jnp.min(d2, axis=1, keepdims=True)
    idx = jnp.min(jnp.where(d2 == mn, lane, jnp.int32(2 ** 30)),
                  axis=1, keepdims=True)
    asg_ref[...] = idx


def _p4_body(asg_ref, nf_ref, nx_ref, ax4_ref, we_ref, af0_ref,
             agg_ref, cnt_ref, af1_ref):
    i = pl.program_id(0)

    @pl.when(i == 0)
    def _():
        agg_ref[...] = jnp.zeros_like(agg_ref)
        cnt_ref[...] = jnp.zeros_like(cnt_ref)

    asg = asg_ref[...]
    lane = lax.broadcasted_iota(jnp.int32, (1024, KP), 1)
    m = (asg == lane).astype(jnp.float32)
    ue = lax.dot_general(ax4_ref[...], we_ref[...], (((1,), (0,)), ((), ())),
                         preferred_element_type=jnp.float32)
    ua = _dot2(m, ue, (((1,), (0,)), ((), ())))
    ve = lax.dot_general(nx_ref[...], we_ref[...], (((1,), (0,)), ((), ())),
                         preferred_element_type=jnp.float32)
    msg = nf_ref[...] + jax.nn.relu(ua - ve)
    rid = lax.broadcasted_iota(jnp.int32, (1024, 1), 0)
    valid = (i * 1024 + rid) < N
    dims = (((0,), (0,)), ((), ()))
    agg_ref[...] += _dot2(m, jnp.where(valid, msg, 0.0), dims)
    lane8 = lax.broadcasted_iota(jnp.int32, (1024, 8), 1)
    vcol = jnp.where((lane8 == 0) & valid, 1.0, 0.0)
    cnt_ref[...] += lax.dot_general(m, vcol, dims,
                                    preferred_element_type=jnp.float32)

    @pl.when(i == pl.num_programs(0) - 1)
    def _():
        cnt = cnt_ref[:, 0:1]
        af1_ref[...] = af0_ref[...] + agg_ref[...] / jnp.maximum(cnt, 1.0)


def _p56_body(c0_ref, c1_ref, af1_ref, ax4_ref, we_ref, wa_ref, wo_ref,
              asg_ref, nf_ref, nx_ref, out_ref, t2_ref, ue_ref, af2_ref):
    i = pl.program_id(0)

    @pl.when(i == 0)
    def _():
        af1 = af1_ref[...]
        term1 = lax.dot_general(c0_ref[...] + c1_ref[...], af1,
                                (((1,), (0,)), ((), ())), precision=HI,
                                preferred_element_type=jnp.float32)
        ue_ref[...] = lax.dot_general(ax4_ref[...], we_ref[...],
                                      (((1,), (0,)), ((), ())),
                                      preferred_element_type=jnp.float32)

        def dblock(j, _):
            ued = ue_ref[pl.ds(j * 8, 8), :]

            def schunk(mm, acc):
                ue_sc = ue_ref[pl.ds(mm * 128, 128), :]
                w = (c0_ref[pl.ds(j * 8, 8), pl.ds(mm * 128, 128)]
                     + c1_ref[pl.ds(j * 8, 8), pl.ds(mm * 128, 128)])
                sidx = lax.broadcasted_iota(jnp.int32, (8, 128), 1) + mm * 128
                w = jnp.where(sidx < K, w, 0.0)
                t = jax.nn.relu(ue_sc[None, :, :] - ued[:, None, :])
                return acc + jnp.sum(t * w[:, :, None], axis=1)

            acc = lax.fori_loop(0, KP // 128, schunk,
                                jnp.zeros((8, D), jnp.float32))
            t2_ref[pl.ds(j * 8, 8), :] = acc
            return 0

        lax.fori_loop(0, KP // 8, dblock, 0)
        x = af1 + term1 + t2_ref[...]
        af2_ref[...] = jax.nn.relu(
            lax.dot_general(x, wa_ref[...], (((1,), (0,)), ((), ())),
                            preferred_element_type=jnp.float32))

    @pl.when(i > 0)
    def _():
        asg = asg_ref[...]
        lane = lax.broadcasted_iota(jnp.int32, (1024, KP), 1)
        m = (asg == lane).astype(jnp.float32)
        pack = jnp.concatenate([af2_ref[...], ue_ref[...]], axis=1)
        g = _dot2(m, pack, (((1,), (0,)), ((), ())))
        ve = lax.dot_general(nx_ref[...], we_ref[...], (((1,), (0,)), ((), ())),
                             preferred_element_type=jnp.float32)
        gathered = g[:, :D] + jax.nn.relu(ve - g[:, D:])
        upd = jax.nn.relu(
            lax.dot_general(gathered, wo_ref[...], (((1,), (0,)), ((), ())),
                            preferred_element_type=jnp.float32))
        out_ref[...] = nf_ref[...] + upd


def _sc_hist_body(es_hbm, ed_hbm, asg_hbm, out_hbm,
                  src_v, dst_v, asg_v, pair_v, ones_v, buf_v, c_sh):
    c = lax.axis_index("c")
    s = lax.axis_index("s")
    wid = c * 16 + s

    def zb(i, _):
        buf_v[pl.ds(i * 16, 16)] = jnp.zeros((16,), jnp.float32)
        return 0
    lax.fori_loop(0, CBUF // 16, zb, 0)

    def zcp(t, _):
        pltpu.sync_copy(buf_v, c_sh.at[pl.ds(s * CSTRIPE + t * CBUF, CBUF)])
        return 0
    lax.fori_loop(0, CSTRIPE // CBUF, zcp, 0)
    plsc.subcore_barrier()

    base = wid * ET
    pltpu.sync_copy(es_hbm.at[pl.ds(base, ET)], src_v)
    pltpu.sync_copy(ed_hbm.at[pl.ds(base, ET)], dst_v)
    pltpu.sync_copy(asg_hbm, asg_v)

    def step(i, _):
        valid = i < (ET // 16)
        off = jnp.where(valid, i * 16, 0)
        sv = src_v[pl.ds(off, 16)]
        dv = dst_v[pl.ds(off, 16)]
        a_s = plsc.load_gather(asg_v, [sv])
        a_d = plsc.load_gather(asg_v, [dv])
        pair = jnp.where(valid, a_d * KP + a_s, jnp.int32(CFLAT - 1))
        ones = jnp.where(valid, jnp.float32(1.0), jnp.float32(0.0))
        ones16 = jnp.full((16,), 0.0, jnp.float32) + ones
        pair_v[pl.ds(i * 16, 16)] = pair
        ones_v[pl.ds(i * 16, 16)] = ones16
        return 0

    lax.fori_loop(0, ETP // 16, step, 0)
    pltpu.sync_copy(ones_v, c_sh.at[pair_v], add=True)
    plsc.subcore_barrier()

    def xcp(t, _):
        pltpu.sync_copy(c_sh.at[pl.ds(s * CSTRIPE + t * CBUF, CBUF)], buf_v)
        pltpu.sync_copy(buf_v, out_hbm.at[c, pl.ds(s * CSTRIPE + t * CBUF, CBUF)])
        return 0
    lax.fori_loop(0, CSTRIPE // CBUF, xcp, 0)


def _sc_hist(edge_src, edge_dst, assign_flat):
    mesh = plsc.VectorSubcoreMesh(core_axis_name="c", subcore_axis_name="s")
    f = pl.kernel(
        _sc_hist_body,
        out_type=jax.ShapeDtypeStruct((2, CFLAT), jnp.float32),
        mesh=mesh,
        compiler_params=pltpu.CompilerParams(needs_layout_passes=False),
        scratch_types=[
            pltpu.VMEM((ET,), jnp.int32),
            pltpu.VMEM((ET,), jnp.int32),
            pltpu.VMEM((NP,), jnp.int32),
            pltpu.VMEM((ETP,), jnp.int32),
            pltpu.VMEM((ETP,), jnp.float32),
            pltpu.VMEM((CBUF,), jnp.float32),
            pltpu.VMEM_SHARED((CFLAT,), jnp.float32),
        ],
    )
    return f(edge_src, edge_dst, assign_flat)


def kernel(node_x, node_features, edge_index, batch, W_score, W_edge, W_anchor, W_out):
    f32 = jnp.float32
    nf_pad = jnp.pad(node_features, ((0, NP - N), (0, 0)))
    nx4 = jnp.pad(node_x, ((0, NP - N), (0, 1)))
    we4 = jnp.pad(W_edge, ((0, 1), (0, 0)))
    es = edge_index[0].astype(jnp.int32)
    ed = edge_index[1].astype(jnp.int32)

    score, rank80, nkl = pl.pallas_call(
        _p1_body,
        out_shape=[jax.ShapeDtypeStruct((NP, 1), f32),
                   jax.ShapeDtypeStruct((80, 128), jnp.int32),
                   jax.ShapeDtypeStruct((1, 1), f32)],
    )(nf_pad, W_score)
    rank2 = rank80.reshape(NP, 1)

    payx = jnp.concatenate([nx4[:, :3], score, jnp.zeros((NP, 4), f32)], axis=1)
    af0, anchx, akl = pl.pallas_call(
        _p2b_body,
        grid=(NP // 1024,),
        in_specs=[pl.BlockSpec((1024, 1), lambda i: (i, 0)),
                  pl.BlockSpec((1024, D), lambda i: (i, 0)),
                  pl.BlockSpec((1024, 8), lambda i: (i, 0))],
        out_specs=[pl.BlockSpec((KP, D), lambda i: (0, 0)),
                   pl.BlockSpec((KP, 8), lambda i: (0, 0)),
                   pl.BlockSpec((1, 1), lambda i: (0, 0))],
        out_shape=[jax.ShapeDtypeStruct((KP, D), f32),
                   jax.ShapeDtypeStruct((KP, 8), f32),
                   jax.ShapeDtypeStruct((1, 1), f32)],
    )(rank2, nf_pad, payx)

    ax4 = jnp.concatenate([anchx[:, :3], jnp.zeros((KP, 1), f32)], axis=1)
    axT4 = ax4.T

    assign = pl.pallas_call(
        _p3_body,
        grid=(NP // 2048,),
        in_specs=[pl.BlockSpec((2048, 4), lambda i: (i, 0)),
                  pl.BlockSpec((4, KP), lambda i: (0, 0))],
        out_specs=pl.BlockSpec((2048, 1), lambda i: (i, 0)),
        out_shape=jax.ShapeDtypeStruct((NP, 1), jnp.int32),
    )(nx4, axT4)

    c2 = _sc_hist(es, ed, assign.reshape(NP))
    c0 = c2[0].reshape(KP, KP)
    c1 = c2[1].reshape(KP, KP)

    _, _, af1 = pl.pallas_call(
        _p4_body,
        grid=(NP // 1024,),
        in_specs=[pl.BlockSpec((1024, 1), lambda i: (i, 0)),
                  pl.BlockSpec((1024, D), lambda i: (i, 0)),
                  pl.BlockSpec((1024, 4), lambda i: (i, 0)),
                  pl.BlockSpec((KP, 4), lambda i: (0, 0)),
                  pl.BlockSpec((4, D), lambda i: (0, 0)),
                  pl.BlockSpec((KP, D), lambda i: (0, 0))],
        out_specs=[pl.BlockSpec((KP, D), lambda i: (0, 0)),
                   pl.BlockSpec((KP, 8), lambda i: (0, 0)),
                   pl.BlockSpec((KP, D), lambda i: (0, 0))],
        out_shape=[jax.ShapeDtypeStruct((KP, D), f32),
                   jax.ShapeDtypeStruct((KP, 8), f32),
                   jax.ShapeDtypeStruct((KP, D), f32)],
    )(assign, nf_pad, nx4, ax4, we4, af0)

    blk = lambda i: (jnp.maximum(i - 1, 0), 0)
    cst = lambda i: (0, 0)
    nf_out = pl.pallas_call(
        _p56_body,
        grid=(NP // 1024 + 1,),
        in_specs=[pl.BlockSpec((KP, KP), cst),
                  pl.BlockSpec((KP, KP), cst),
                  pl.BlockSpec((KP, D), cst),
                  pl.BlockSpec((KP, 4), cst),
                  pl.BlockSpec((4, D), cst),
                  pl.BlockSpec((D, D), cst),
                  pl.BlockSpec((D, D), cst),
                  pl.BlockSpec((1024, 1), blk),
                  pl.BlockSpec((1024, D), blk),
                  pl.BlockSpec((1024, 4), blk)],
        out_specs=pl.BlockSpec((1024, D), blk),
        out_shape=jax.ShapeDtypeStruct((NP, D), f32),
        scratch_shapes=[pltpu.VMEM((KP, D), f32), pltpu.VMEM((KP, D), f32),
                        pltpu.VMEM((KP, D), f32)],
    )(c0, c1, af1, ax4, we4, W_anchor, W_out, assign, nf_pad, nx4)

    return (nf_out[:N], akl[0, 0], nkl[0, 0])

# --- scband reference (transcript-rebuilt; emitter-appended) ---
"""Pipeline reference for scband-pool-update-56023553409072 (READ-ONLY COPY).

The authoritative reference and input builder live on the scoring server;
editing this copy changes nothing except your own understanding.
"""

import jax, jax.numpy as jnp
import numpy as np

N = 10000
E = 320000
D = 128
P = 3
K = 1000
G = 16
EPS = 1e-6


def setup_inputs(seed: int = 0) -> dict:
    key = jax.random.key(seed)
    ks = jax.random.split(key, 8)
    node_x = jax.random.normal(ks[0], (N, P), dtype=jnp.float32)
    node_features = jax.random.normal(ks[1], (N, D), dtype=jnp.float32)
    edge_index = jax.random.randint(ks[2], (2, E), 0, N, dtype=jnp.int32).astype(jnp.int64)
    batch = jnp.sort(jax.random.randint(ks[3], (N,), 0, G, dtype=jnp.int32)).astype(jnp.int64)
    W_score = jax.random.normal(ks[4], (D, 1), dtype=jnp.float32) * 0.05
    W_edge = jax.random.normal(ks[5], (P, D), dtype=jnp.float32) * 0.05
    W_anchor = jax.random.normal(ks[6], (D, D), dtype=jnp.float32) * (1.0 / np.sqrt(D))
    W_out = jax.random.normal(ks[7], (D, D), dtype=jnp.float32) * (1.0 / np.sqrt(D))
    return {
        'node_x': node_x,
        'node_features': node_features,
        'edge_index': edge_index,
        'batch': batch,
        'W_score': W_score,
        'W_edge': W_edge,
        'W_anchor': W_anchor,
        'W_out': W_out,
    }


def _bern_kl_to_half(p):
    p = jnp.clip(p, EPS, 1.0 - EPS)
    return jnp.mean(p * jnp.log(2.0 * p) + (1.0 - p) * jnp.log(2.0 * (1.0 - p)))


def reference(node_x, node_features, edge_index, batch, W_score, W_edge, W_anchor, W_out):
    # ---- select: score nodes, keep top-K anchors (gated features) ----
    score = (node_features @ W_score)[:, 0]                      # [N]
    top_vals, top_idx = jax.lax.top_k(score, K)                   # [K]
    gate = jax.nn.sigmoid(top_vals)                               # [K]
    anchor_x = node_x[top_idx]                                    # [K,P]
    anchor_features = node_features[top_idx] * gate[:, None]      # [K,D]
    anchor_batch = batch[top_idx]                                 # [K]

    # ---- connect: assign each node to nearest anchor, lift edges ----
    d2 = (jnp.sum(node_x * node_x, axis=1)[:, None]
          + jnp.sum(anchor_x * anchor_x, axis=1)[None, :]
          - 2.0 * (node_x @ anchor_x.T))                          # [N,K]
    assign = jnp.argmin(d2, axis=1)                               # [N]
    a2n_edge_index = jnp.stack([assign, jnp.arange(N, dtype=assign.dtype)], axis=0)  # [2,N] (anchor,node)
    a2n_edge_features = anchor_x[assign] - node_x                 # [N,P]
    a2a_edge_index = assign[edge_index]                           # [2,E]
    a2a_edge_features = anchor_x[a2a_edge_index[0]] - anchor_x[a2a_edge_index[1]]  # [E,P]
    anchor_proj_kl = _bern_kl_to_half(gate)
    node_proj_kl = _bern_kl_to_half(jax.nn.sigmoid(score))

    n2a_edge_index = jnp.flip(a2n_edge_index, axis=0)             # [2,N] (node,anchor)
    n2a_edge_features = -a2n_edge_features

    # ---- node_to_anchor: scatter-mean node messages into anchors ----
    msg = node_features[a2n_edge_index[1]] + jax.nn.relu(a2n_edge_features @ W_edge)  # [N,D]
    agg = jax.ops.segment_sum(msg, a2n_edge_index[0], num_segments=K)
    cnt = jax.ops.segment_sum(jnp.ones((N,), jnp.float32), a2n_edge_index[0], num_segments=K)
    anchor_features = anchor_features + agg / jnp.maximum(cnt, 1.0)[:, None]

    # ---- anchor_update: message passing over lifted anchor graph ----
    a_msg = anchor_features[a2a_edge_index[0]] + jax.nn.relu(a2a_edge_features @ W_edge)  # [E,D]
    a_agg = jax.ops.segment_sum(a_msg, a2a_edge_index[1], num_segments=K)
    anchor_features = jax.nn.relu((anchor_features + a_agg) @ W_anchor)

    # ---- anchor_to_node: gather anchor features back to nodes ----
    gathered = anchor_features[n2a_edge_index[1]] + jax.nn.relu(n2a_edge_features @ W_edge)  # [N,D]
    upd = jax.nn.relu(gathered @ W_out)
    node_features = node_features + jnp.zeros_like(node_features).at[n2a_edge_index[0]].add(upd)

    return (node_features, anchor_proj_kl, node_proj_kl)

if __name__ == "__main__":
    import jax
    _d = setup_inputs()
    print(jax.jit(kernel)(*tuple(_d.values())))

</pallas_src>

<mosaic_0001>
#map = affine_map<(d0, d1) -> (0)>
#map1 = affine_map<(d0, d1) -> (0, 0)>
module attributes {stable_mosaic.version = 14 : i64} {
  func.func @_sc_hist_body(%arg0: i32, %arg1: i32, %arg2: memref<320000xi32, #tpu.memory_space<hbm>>, %arg3: memref<320000xi32, #tpu.memory_space<hbm>>, %arg4: memref<10240xi32, #tpu.memory_space<hbm>>, %arg5: memref<2x1048576xf32, #tpu.memory_space<hbm>>, %arg6: memref<10000xi32, #tpu.memory_space<vmem>>, %arg7: memref<10000xi32, #tpu.memory_space<vmem>>, %arg8: memref<10240xi32, #tpu.memory_space<vmem>>, %arg9: memref<10240xi32, #tpu.memory_space<vmem>>, %arg10: memref<10240xf32, #tpu.memory_space<vmem>>, %arg11: memref<8192xf32, #tpu.memory_space<vmem>>, %arg12: memref<1048576xf32, #tpu.memory_space<vmem_shared>>) attributes {dimension_semantics = [#tpu.dimension_semantics<core_parallel>, #tpu.dimension_semantics<subcore_parallel>], iteration_bounds = array<i64: 2, 16>, scalar_prefetch = 0 : i64, scratch_operands = 7 : i64, tpu.core_type = #tpu.core_type<sc_vector_subcore>, window_params = [{transform_indices = #map}, {transform_indices = #map}, {transform_indices = #map}, {transform_indices = #map1}]} {
    %mul3A = arith.constant 16 : i32
    %mul3A_0 = arith.muli %arg0, %mul3A : i32
    %add3A = arith.addi %mul3A_0, %arg1 : i32
    %scan3A = arith.constant 0 : i32
    %scan3A_1 = arith.constant 0 : i32
    %scan3A_2 = arith.constant 512 : i32
    %scan3A_3 = arith.addi %scan3A_1, %scan3A_2 : i32
    %scan3A_4 = arith.constant 1 : i32
    %scan3A_5 = scf.for %scan3A_31 = %scan3A_1 to %scan3A_3 step %scan3A_4 iter_args(%scan3A_32 = %scan3A) -> (i32)  : i32 {
      %broadcast_in_dim3A = arith.constant 0.000000e+00 : f32
      %broadcast_in_dim3A_33 = vector.broadcast %broadcast_in_dim3A : f32 to vector<16xf32>
      %mul3A_34 = arith.constant 16 : i32
      %mul3A_35 = arith.muli %scan3A_31, %mul3A_34 : i32
      %swap3A = arith.index_cast %mul3A_35 : i32 to index
      %swap3A_36 = tpu.vector_load %arg11[%swap3A] {strides = array<i32>} : memref<8192xf32, #tpu.memory_space<vmem>>, vector<16xf32>,
      tpu.vector_store %arg11[%swap3A], %broadcast_in_dim3A_33 {strides = array<i32>} : memref<8192xf32, #tpu.memory_space<vmem>>, vector<16xf32>,
      %scan3A_37 = arith.constant 0 : i32
      scf.yield %scan3A_37 : i32
    }
    %scan3A_6 = arith.constant 512 : i32
    %scan3A_7 = arith.constant 0 : i32
    %scan3A_8 = arith.constant 0 : i32
    %scan3A_9 = arith.constant 8 : i32
    %scan3A_10 = arith.addi %scan3A_8, %scan3A_9 : i32
    %scan3A_11 = arith.constant 1 : i32
    %scan3A_12 = scf.for %scan3A_31 = %scan3A_8 to %scan3A_10 step %scan3A_11 iter_args(%scan3A_32 = %scan3A_7) -> (i32)  : i32 {
      %mul3A_33 = arith.constant 65536 : i32
      %mul3A_34 = arith.muli %arg1, %mul3A_33 : i32
      %mul3A_35 = arith.constant 8192 : i32
      %mul3A_36 = arith.muli %scan3A_31, %mul3A_35 : i32
      %add3A_37 = arith.addi %mul3A_34, %mul3A_36 : i32
      "tpu.region"() ({
        %run_scoped3A = tpu.sem_alloc : memref<!tpu.dma_semaphore, #tpu.memory_space<semaphore_mem>>
        %dma_start3A = tpu.memref_slice %arg12[%add3A_37] : memref<1048576xf32, #tpu.memory_space<vmem_shared>> -> memref<8192xf32, #tpu.memory_space<vmem_shared>>
        %dma_start3A_39 = tpu.memref_slice %arg12[%add3A_37] : memref<1048576xf32, #tpu.memory_space<vmem_shared>> -> memref<8192xf32, #tpu.memory_space<vmem_shared>>
        tpu.enqueue_dma source(%arg11 : memref<8192xf32, #tpu.memory_space<vmem>>) target(%dma_start3A_39 : memref<8192xf32, #tpu.memory_space<vmem_shared>>) target_semaphore(%run_scoped3A : memref<!tpu.dma_semaphore, #tpu.memory_space<semaphore_mem>>)
        %dma_wait3A = tpu.memref_slice %arg12[%add3A_37] : memref<1048576xf32, #tpu.memory_space<vmem_shared>> -> memref<8192xf32, #tpu.memory_space<vmem_shared>>
        %dma_wait3A_40 = tpu.memref_slice %arg12[%add3A_37] : memref<1048576xf32, #tpu.memory_space<vmem_shared>> -> memref<8192xf32, #tpu.memory_space<vmem_shared>>
        tpu.wait_dma2 semaphore(%run_scoped3A : memref<!tpu.dma_semaphore, #tpu.memory_space<semaphore_mem>>) src(%arg11 : memref<8192xf32, #tpu.memory_space<vmem>>) dst(%dma_wait3A_40 : memref<8192xf32, #tpu.memory_space<vmem_shared>>)
        tpu.yield
      }) : () -> ()
      %scan3A_38 = arith.constant 0 : i32
      scf.yield %scan3A_38 : i32
    }
    %scan3A_13 = arith.constant 8 : i32
    %barrier3A = arith.constant 0 : index
    tpu.barrier barrier_id(%barrier3A)
    %mul3A_14 = arith.constant 10000 : i32
    %mul3A_15 = arith.muli %add3A, %mul3A_14 : i32
    "tpu.region"() ({
      %run_scoped3A = tpu.sem_alloc : memref<!tpu.dma_semaphore, #tpu.memory_space<semaphore_mem>>
      %dma_start3A = tpu.memref_slice %arg2[%mul3A_15] : memref<320000xi32, #tpu.memory_space<hbm>> -> memref<10000xi32, #tpu.memory_space<hbm>>
      %dma_start3A_31 = tpu.memref_slice %arg2[%mul3A_15] : memref<320000xi32, #tpu.memory_space<hbm>> -> memref<10000xi32, #tpu.memory_space<hbm>>
      tpu.enqueue_dma source(%dma_start3A_31 : memref<10000xi32, #tpu.memory_space<hbm>>) target(%arg6 : memref<10000xi32, #tpu.memory_space<vmem>>) target_semaphore(%run_scoped3A : memref<!tpu.dma_semaphore, #tpu.memory_space<semaphore_mem>>)
      %dma_wait3A = tpu.memref_slice %arg2[%mul3A_15] : memref<320000xi32, #tpu.memory_space<hbm>> -> memref<10000xi32, #tpu.memory_space<hbm>>
      %dma_wait3A_32 = tpu.memref_slice %arg2[%mul3A_15] : memref<320000xi32, #tpu.memory_space<hbm>> -> memref<10000xi32, #tpu.memory_space<hbm>>
      tpu.wait_dma2 semaphore(%run_scoped3A : memref<!tpu.dma_semaphore, #tpu.memory_space<semaphore_mem>>) src(%dma_wait3A_32 : memref<10000xi32, #tpu.memory_space<hbm>>) dst(%arg6 : memref<10000xi32, #tpu.memory_space<vmem>>)
      tpu.yield
    }) : () -> ()
    "tpu.region"() ({
      %run_scoped3A = tpu.sem_alloc : memref<!tpu.dma_semaphore, #tpu.memory_space<semaphore_mem>>
      %dma_start3A = tpu.memref_slice %arg3[%mul3A_15] : memref<320000xi32, #tpu.memory_space<hbm>> -> memref<10000xi32, #tpu.memory_space<hbm>>
      %dma_start3A_31 = tpu.memref_slice %arg3[%mul3A_15] : memref<320000xi32, #tpu.memory_space<hbm>> -> memref<10000xi32, #tpu.memory_space<hbm>>
      tpu.enqueue_dma source(%dma_start3A_31 : memref<10000xi32, #tpu.memory_space<hbm>>) target(%arg7 : memref<10000xi32, #tpu.memory_space<vmem>>) target_semaphore(%run_scoped3A : memref<!tpu.dma_semaphore, #tpu.memory_space<semaphore_mem>>)
      %dma_wait3A = tpu.memref_slice %arg3[%mul3A_15] : memref<320000xi32, #tpu.memory_space<hbm>> -> memref<10000xi32, #tpu.memory_space<hbm>>
      %dma_wait3A_32 = tpu.memref_slice %arg3[%mul3A_15] : memref<320000xi32, #tpu.memory_space<hbm>> -> memref<10000xi32, #tpu.memory_space<hbm>>
      tpu.wait_dma2 semaphore(%run_scoped3A : memref<!tpu.dma_semaphore, #tpu.memory_space<semaphore_mem>>) src(%dma_wait3A_32 : memref<10000xi32, #tpu.memory_space<hbm>>) dst(%arg7 : memref<10000xi32, #tpu.memory_space<vmem>>)
      tpu.yield
    }) : () -> ()
    "tpu.region"() ({
      %run_scoped3A = tpu.sem_alloc : memref<!tpu.dma_semaphore, #tpu.memory_space<semaphore_mem>>
      tpu.enqueue_dma source(%arg4 : memref<10240xi32, #tpu.memory_space<hbm>>) target(%arg8 : memref<10240xi32, #tpu.memory_space<vmem>>) target_semaphore(%run_scoped3A : memref<!tpu.dma_semaphore, #tpu.memory_space<semaphore_mem>>)
      tpu.wait_dma2 semaphore(%run_scoped3A : memref<!tpu.dma_semaphore, #tpu.memory_space<semaphore_mem>>) src(%arg4 : memref<10240xi32, #tpu.memory_space<hbm>>) dst(%arg8 : memref<10240xi32, #tpu.memory_space<vmem>>)
      tpu.yield
    }) : () -> ()
    %scan3A_16 = arith.constant 0 : i32
    %scan3A_17 = arith.constant 0 : i32
    %scan3A_18 = arith.constant 640 : i32
    %scan3A_19 = arith.addi %scan3A_17, %scan3A_18 : i32
    %scan3A_20 = arith.constant 1 : i32
    %scan3A_21 = scf.for %scan3A_31 = %scan3A_17 to %scan3A_19 step %scan3A_20 iter_args(%scan3A_32 = %scan3A_16) -> (i32)  : i32 {
      %lt3A = arith.constant 625 : i32
      %lt3A_33 = arith.cmpi slt, %scan3A_31, %lt3A : i32
      %mul3A_34 = arith.constant 16 : i32
      %mul3A_35 = arith.muli %scan3A_31, %mul3A_34 : i32
      %jit3A = arith.constant 0 : i32
      %select_n3A = arith.select %lt3A_33, %mul3A_35, %jit3A : i32
      %get3A = arith.index_cast %select_n3A : i32 to index
      %get3A_36 = tpu.vector_load %arg6[%get3A] {strides = array<i32>} : memref<10000xi32, #tpu.memory_space<vmem>>, vector<16xi32>,
      %get3A_37 = arith.index_cast %select_n3A : i32 to index
      %get3A_38 = tpu.vector_load %arg7[%get3A_37] {strides = array<i32>} : memref<10000xi32, #tpu.memory_space<vmem>>, vector<16xi32>,
      %gather3A = tpu.vector_load_idx %arg8[%get3A_36] : memref<10240xi32, #tpu.memory_space<vmem>>[vector<16xi32>], vector<16xi32>,
      %gather3A_39 = tpu.vector_load_idx %arg8[%get3A_38] : memref<10240xi32, #tpu.memory_space<vmem>>[vector<16xi32>], vector<16xi32>,
      %mul3A_40 = arith.constant 1024 : i32
      %mul3A_41 = vector.broadcast %mul3A_40 : i32 to vector<16xi32>
      %mul3A_42 = arith.muli %gather3A_39, %mul3A_41 : vector<16xi32>
      %add3A_43 = arith.addi %mul3A_42, %gather3A : vector<16xi32>
      %jit3A_44 = arith.constant 1048575 : i32
      %broadcast_in_dim3A = vector.broadcast %jit3A_44 : i32 to vector<16xi32>
      %select_n3A_45 = arith.select %lt3A_33, %add3A_43, %broadcast_in_dim3A : vector<16xi32>
      %jit3A_46 = arith.constant 1.000000e+00 : f32
      %jit3A_47 = arith.constant 0.000000e+00 : f32
      %select_n3A_48 = arith.select %lt3A_33, %jit3A_46, %jit3A_47 : f32
      %broadcast_in_dim3A_49 = arith.constant 0.000000e+00 : f32
      %broadcast_in_dim3A_50 = vector.broadcast %broadcast_in_dim3A_49 : f32 to vector<16xf32>
      %add3A_51 = vector.broadcast %select_n3A_48 : f32 to vector<16xf32>
      %add3A_52 = arith.addf %broadcast_in_dim3A_50, %add3A_51 : vector<16xf32>
      %mul3A_53 = arith.constant 16 : i32
      %mul3A_54 = arith.muli %scan3A_31, %mul3A_53 : i32
      %swap3A = arith.index_cast %mul3A_54 : i32 to index
      %swap3A_55 = tpu.vector_load %arg9[%swap3A] {strides = array<i32>} : memref<10240xi32, #tpu.memory_space<vmem>>, vector<16xi32>,
      tpu.vector_store %arg9[%swap3A], %select_n3A_45 {strides = array<i32>} : memref<10240xi32, #tpu.memory_space<vmem>>, vector<16xi32>,
      %mul3A_56 = arith.constant 16 : i32
      %mul3A_57 = arith.muli %scan3A_31, %mul3A_56 : i32
      %swap3A_58 = arith.index_cast %mul3A_57 : i32 to index
      %swap3A_59 = tpu.vector_load %arg10[%swap3A_58] {strides = array<i32>} : memref<10240xf32, #tpu.memory_space<vmem>>, vector<16xf32>,
      tpu.vector_store %arg10[%swap3A_58], %add3A_52 {strides = array<i32>} : memref<10240xf32, #tpu.memory_space<vmem>>, vector<16xf32>,
      %scan3A_60 = arith.constant 0 : i32
      scf.yield %scan3A_60 : i32
    }
    %scan3A_22 = arith.constant 640 : i32
    "tpu.region"() ({
      %run_scoped3A = tpu.sem_alloc : memref<!tpu.dma_semaphore, #tpu.memory_space<semaphore_mem>>
      %dma_start3A = arith.constant 0 : i32
      %dma_start3A_31 = tpu.memref_slice %arg12[%dma_start3A] : memref<1048576xf32, #tpu.memory_space<vmem_shared>> -> memref<1048576xf32, #tpu.memory_space<vmem_shared>>
      tpu.enqueue_indirect_dma source(%arg10 : memref<10240xf32, #tpu.memory_space<vmem>>) target(%dma_start3A_31 : memref<1048576xf32, #tpu.memory_space<vmem_shared>>) offsets(%arg9 : memref<10240xi32, #tpu.memory_space<vmem>>) semaphore(%run_scoped3A : memref<!tpu.dma_semaphore, #tpu.memory_space<semaphore_mem>>) {add = true}
      %dma_wait3A = arith.constant 0 : i32
      %dma_wait3A_32 = tpu.memref_slice %arg12[%dma_wait3A] : memref<1048576xf32, #tpu.memory_space<vmem_shared>> -> memref<1048576xf32, #tpu.memory_space<vmem_shared>>
      tpu.wait_indirect_dma semaphore(%run_scoped3A : memref<!tpu.dma_semaphore, #tpu.memory_space<semaphore_mem>>) src(%arg10 : memref<10240xf32, #tpu.memory_space<vmem>>) dst(%dma_wait3A_32 : memref<1048576xf32, #tpu.memory_space<vmem_shared>>)
      tpu.yield
    }) : () -> ()
    %barrier3A_23 = arith.constant 0 : index
    tpu.barrier barrier_id(%barrier3A_23)
    %scan3A_24 = arith.constant 0 : i32
    %scan3A_25 = arith.constant 0 : i32
    %scan3A_26 = arith.constant 8 : i32
    %scan3A_27 = arith.addi %scan3A_25, %scan3A_26 : i32
    %scan3A_28 = arith.constant 1 : i32
    %scan3A_29 = scf.for %scan3A_31 = %scan3A_25 to %scan3A_27 step %scan3A_28 iter_args(%scan3A_32 = %scan3A_24) -> (i32)  : i32 {
      %mul3A_33 = arith.constant 65536 : i32
      %mul3A_34 = arith.muli %arg1, %mul3A_33 : i32
      %mul3A_35 = arith.constant 8192 : i32
      %mul3A_36 = arith.muli %scan3A_31, %mul3A_35 : i32
      %add3A_37 = arith.addi %mul3A_34, %mul3A_36 : i32
      "tpu.region"() ({
        %run_scoped3A = tpu.sem_alloc : memref<!tpu.dma_semaphore, #tpu.memory_space<semaphore_mem>>
        %dma_start3A = tpu.memref_slice %arg12[%add3A_37] : memref<1048576xf32, #tpu.memory_space<vmem_shared>> -> memref<8192xf32, #tpu.memory_space<vmem_shared>>
        %dma_start3A_44 = tpu.memref_slice %arg12[%add3A_37] : memref<1048576xf32, #tpu.memory_space<vmem_shared>> -> memref<8192xf32, #tpu.memory_space<vmem_shared>>
        tpu.enqueue_dma source(%dma_start3A_44 : memref<8192xf32, #tpu.memory_space<vmem_shared>>) target(%arg11 : memref<8192xf32, #tpu.memory_space<vmem>>) target_semaphore(%run_scoped3A : memref<!tpu.dma_semaphore, #tpu.memory_space<semaphore_mem>>)
        %dma_wait3A = tpu.memref_slice %arg12[%add3A_37] : memref<1048576xf32, #tpu.memory_space<vmem_shared>> -> memref<8192xf32, #tpu.memory_space<vmem_shared>>
        %dma_wait3A_45 = tpu.memref_slice %arg12[%add3A_37] : memref<1048576xf32, #tpu.memory_space<vmem_shared>> -> memref<8192xf32, #tpu.memory_space<vmem_shared>>
        tpu.wait_dma2 semaphore(%run_scoped3A : memref<!tpu.dma_semaphore, #tpu.memory_space<semaphore_mem>>) src(%dma_wait3A_45 : memref<8192xf32, #tpu.memory_space<vmem_shared>>) dst(%arg11 : memref<8192xf32, #tpu.memory_space<vmem>>)
        tpu.yield
      }) : () -> ()
      %mul3A_38 = arith.constant 65536 : i32
      %mul3A_39 = arith.muli %arg1, %mul3A_38 : i32
      %mul3A_40 = arith.constant 8192 : i32
      %mul3A_41 = arith.muli %scan3A_31, %mul3A_40 : i32
      %add3A_42 = arith.addi %mul3A_39, %mul3A_41 : i32
      "tpu.region"() ({
        %run_scoped3A = tpu.sem_alloc : memref<!tpu.dma_semaphore, #tpu.memory_space<semaphore_mem>>
        %dma_start3A = tpu.memref_slice %arg5[%arg0, %add3A_42] : memref<2x1048576xf32, #tpu.memory_space<hbm>> -> memref<1x8192xf32, #tpu.memory_space<hbm>>
        %dma_start3A_44 = tpu.memref_squeeze %dma_start3A : memref<1x8192xf32, #tpu.memory_space<hbm>> -> memref<8192xf32, #tpu.memory_space<hbm>>
        %dma_start3A_45 = tpu.memref_slice %arg5[%arg0, %add3A_42] : memref<2x1048576xf32, #tpu.memory_space<hbm>> -> memref<1x8192xf32, #tpu.memory_space<hbm>>
        %dma_start3A_46 = tpu.memref_squeeze %dma_start3A_45 : memref<1x8192xf32, #tpu.memory_space<hbm>> -> memref<8192xf32, #tpu.memory_space<hbm>>
        tpu.enqueue_dma source(%arg11 : memref<8192xf32, #tpu.memory_space<vmem>>) target(%dma_start3A_46 : memref<8192xf32, #tpu.memory_space<hbm>>) target_semaphore(%run_scoped3A : memref<!tpu.dma_semaphore, #tpu.memory_space<semaphore_mem>>)
        %dma_wait3A = tpu.memref_slice %arg5[%arg0, %add3A_42] : memref<2x1048576xf32, #tpu.memory_space<hbm>> -> memref<1x8192xf32, #tpu.memory_space<hbm>>
        %dma_wait3A_47 = tpu.memref_squeeze %dma_wait3A : memref<1x8192xf32, #tpu.memory_space<hbm>> -> memref<8192xf32, #tpu.memory_space<hbm>>
        %dma_wait3A_48 = tpu.memref_slice %arg5[%arg0, %add3A_42] : memref<2x1048576xf32, #tpu.memory_space<hbm>> -> memref<1x8192xf32, #tpu.memory_space<hbm>>
        %dma_wait3A_49 = tpu.memref_squeeze %dma_wait3A_48 : memref<1x8192xf32, #tpu.memory_space<hbm>> -> memref<8192xf32, #tpu.memory_space<hbm>>
        tpu.wait_dma2 semaphore(%run_scoped3A : memref<!tpu.dma_semaphore, #tpu.memory_space<semaphore_mem>>) src(%arg11 : memref<8192xf32, #tpu.memory_space<vmem>>) dst(%dma_wait3A_49 : memref<8192xf32, #tpu.memory_space<hbm>>)
        tpu.yield
      }) : () -> ()
      %scan3A_43 = arith.constant 0 : i32
      scf.yield %scan3A_43 : i32
    }
    %scan3A_30 = arith.constant 8 : i32
    return
  }
}

module attributes {stable_mosaic.version = 14 : i64} {
  func.func @_p1_body(%arg0: memref<10240x128xf32, #tpu.memory_space<vmem>>, %arg1: memref<128x1xf32, #tpu.memory_space<vmem>>, %arg2: memref<10240x1xf32, #tpu.memory_space<vmem>>, %arg3: memref<80x128xi32, #tpu.memory_space<vmem>>, %arg4: memref<1x1xf32, #tpu.memory_space<vmem>>) attributes {dimension_semantics = [], scalar_prefetch = 0 : i64, scratch_operands = 0 : i64, tpu.core_type = #tpu.core_type<tc>} {
    %get3A = arith.constant 0 : index
    %get3A_0 = arith.constant 0 : index
    %get3A_1 = vector.load %arg0[%get3A, %get3A_0] : memref<10240x128xf32, #tpu.memory_space<vmem>>, vector<10240x128xf32>
    %get3A_2 = arith.constant 0 : index
    %get3A_3 = arith.constant 0 : index
    %get3A_4 = vector.load %arg1[%get3A_2, %get3A_3] : memref<128x1xf32, #tpu.memory_space<vmem>>, vector<128x1xf32>
    %dot_general3A = arith.constant dense<0.000000e+00> : vector<10240x1xf32>
    %dot_general3A_5 = tpu.matmul %get3A_1, %get3A_4, %dot_general3A {dimension_numbers = #tpu.dot_dimension_numbers<[1], [0], [0], [1], [0, 0, 1, 1], [], []>, transpose_lhs_hint = false} : vector<10240x128xf32>, vector<128x1xf32>, vector<10240x1xf32> -> vector<10240x1xf32>
    %swap3A = arith.constant 0 : index
    %swap3A_6 = arith.constant 0 : index
    %swap3A_7 = vector.load %arg2[%swap3A, %swap3A_6] : memref<10240x1xf32, #tpu.memory_space<vmem>>, vector<10240x1xf32>
    tpu.vector_store %arg2[%swap3A, %swap3A_6], %dot_general3A_5 {strides = array<i32>} : memref<10240x1xf32, #tpu.memory_space<vmem>>, vector<10240x1xf32>,
    %iota3A = tpu.iota {dimensions = array<i32: 0>} : vector<10240x1xi32>
    %logistic3A = arith.negf %dot_general3A_5 : vector<10240x1xf32>
    %logistic3A_8 = math.exp %logistic3A : vector<10240x1xf32>
    %logistic3A_9 = arith.constant 1.000000e+00 : f32
    %logistic3A_10 = vector.broadcast %logistic3A_9 : f32 to vector<10240x1xf32>
    %logistic3A_11 = arith.addf %logistic3A_10, %logistic3A_8 : vector<10240x1xf32>
    %logistic3A_12 = arith.divf %logistic3A_10, %logistic3A_11 : vector<10240x1xf32>
    %jit3A = arith.constant 9.99999997E-7 : f32
    %jit3A_13 = arith.constant 0.999998986 : f32
    %max3A = vector.broadcast %jit3A : f32 to vector<10240x1xf32>
    %max3A_14 = arith.maximumf %max3A, %logistic3A_12 : vector<10240x1xf32>
    %min3A = vector.broadcast %jit3A_13 : f32 to vector<10240x1xf32>
    %min3A_15 = arith.minimumf %min3A, %max3A_14 : vector<10240x1xf32>
    %mul3A = arith.constant 2.000000e+00 : f32
    %mul3A_16 = vector.broadcast %mul3A : f32 to vector<10240x1xf32>
    %mul3A_17 = arith.mulf %mul3A_16, %min3A_15 : vector<10240x1xf32>
    %log3A = math.log %mul3A_17 : vector<10240x1xf32>
    %mul3A_18 = arith.mulf %min3A_15, %log3A : vector<10240x1xf32>
    %sub3A = arith.constant 1.000000e+00 : f32
    %sub3A_19 = vector.broadcast %sub3A : f32 to vector<10240x1xf32>
    %sub3A_20 = arith.subf %sub3A_19, %min3A_15 : vector<10240x1xf32>
    %sub3A_21 = arith.constant 1.000000e+00 : f32
    %sub3A_22 = vector.broadcast %sub3A_21 : f32 to vector<10240x1xf32>
    %sub3A_23 = arith.subf %sub3A_22, %min3A_15 : vector<10240x1xf32>
    %mul3A_24 = arith.constant 2.000000e+00 : f32
    %mul3A_25 = vector.broadcast %mul3A_24 : f32 to vector<10240x1xf32>
    %mul3A_26 = arith.mulf %mul3A_25, %sub3A_23 : vector<10240x1xf32>
    %log3A_27 = math.log %mul3A_26 : vector<10240x1xf32>
    %mul3A_28 = arith.mulf %sub3A_20, %log3A_27 : vector<10240x1xf32>
    %add3A = arith.addf %mul3A_18, %mul3A_28 : vector<10240x1xf32>
    %lt3A = arith.constant 10000 : i32
    %lt3A_29 = vector.broadcast %lt3A : i32 to vector<10240x1xi32>
    %lt3A_30 = arith.cmpi slt, %iota3A, %lt3A_29 : vector<10240x1xi32>
    %jit3A_31 = arith.constant 0.000000e+00 : f32
    %broadcast_in_dim3A = vector.broadcast %jit3A_31 : f32 to vector<10240x1xf32>
    %select_n3A = arith.select %lt3A_30, %add3A, %broadcast_in_dim3A : vector<10240x1xi1>, vector<10240x1xf32>
    %reduce_sum3A = vector.shape_cast %select_n3A : vector<10240x1xf32> to vector<1x10240x1xf32>
    %reduce_sum3A_32 = arith.constant dense<0.000000e+00> : vector<1xf32>
    %reduce_sum3A_33 = vector.multi_reduction <add>, %reduce_sum3A, %reduce_sum3A_32 [1, 2] : vector<1x10240x1xf32> to vector<1xf32>
    %reduce_sum3A_34 = vector.shape_cast %reduce_sum3A_33 : vector<1xf32> to vector<1x1x1xf32>
    %reduce_sum3A_35 = vector.extract %reduce_sum3A_34[0, 0, 0] : f32 from vector<1x1x1xf32>
    %div3A = arith.constant 1.000000e+04 : f32
    %div3A_36 = arith.divf %reduce_sum3A_35, %div3A : f32
    %reshape3A = vector.broadcast %div3A_36 : f32 to vector<1x1xf32>
    %swap3A_37 = arith.constant 0 : index
    %swap3A_38 = arith.constant 0 : index
    %swap3A_39 = vector.load %arg4[%swap3A_37, %swap3A_38] : memref<1x1xf32, #tpu.memory_space<vmem>>, vector<1x1xf32>
    tpu.vector_store %arg4[%swap3A_37, %swap3A_38], %reshape3A {strides = array<i32>} : memref<1x1xf32, #tpu.memory_space<vmem>>, vector<1x1xf32>,
    %reshape3A_40 = vector.shape_cast %dot_general3A_5 : vector<10240x1xf32> to vector<80x128xf32>
    %bitcast_convert_type3A = tpu.bitcast %reshape3A_40 : vector<80x128xf32> -> vector<80x128xi32>
    %ge3A = arith.constant 0 : i32
    %ge3A_41 = vector.broadcast %ge3A : i32 to vector<80x128xi32>
    %ge3A_42 = arith.cmpi sge, %bitcast_convert_type3A, %ge3A_41 : vector<80x128xi32>
    %xor3A = arith.constant 2147483647 : i32
    %xor3A_43 = vector.broadcast %xor3A : i32 to vector<80x128xi32>
    %xor3A_44 = arith.xori %bitcast_convert_type3A, %xor3A_43 : vector<80x128xi32>
    %select_n3A_45 = arith.select %ge3A_42, %bitcast_convert_type3A, %xor3A_44 : vector<80x128xi1>, vector<80x128xi32>
    %iota3A_46 = tpu.iota {dimensions = array<i32: 0>} : vector<80x128xi32>
    %iota3A_47 = tpu.iota {dimensions = array<i32: 1>} : vector<80x128xi32>
    %mul3A_48 = arith.constant 128 : i32
    %mul3A_49 = vector.broadcast %mul3A_48 : i32 to vector<80x128xi32>
    %mul3A_50 = arith.muli %iota3A_46, %mul3A_49 : vector<80x128xi32>
    %add3A_51 = arith.addi %mul3A_50, %iota3A_47 : vector<80x128xi32>
    %lt3A_52 = arith.constant 10000 : i32
    %lt3A_53 = vector.broadcast %lt3A_52 : i32 to vector<80x128xi32>
    %lt3A_54 = arith.cmpi slt, %add3A_51, %lt3A_53 : vector<80x128xi32>
    %jit3A_55 = arith.constant -2147483648 : i32
    %broadcast_in_dim3A_56 = vector.broadcast %jit3A_55 : i32 to vector<80x128xi32>
    %select_n3A_57 = arith.select %lt3A_54, %select_n3A_45, %broadcast_in_dim3A_56 : vector<80x128xi1>, vector<80x128xi32>
    %scan3A = arith.constant -2147483648 : i32
    %scan3A_58 = arith.constant 0 : i32
    %scan3A_59 = arith.constant 0 : i32
    %scan3A_60 = arith.constant 32 : i32
    %scan3A_61 = arith.addi %scan3A_59, %scan3A_60 : i32
    %scan3A_62 = arith.constant 1 : i32
    %scan3A_63 = scf.for %scan3A_253 = %scan3A_59 to %scan3A_61 step %scan3A_62 iter_args(%scan3A_254 = %scan3A_58) -> (i32)  : i32 {
      %sub3A_255 = arith.constant 31 : i32
      %sub3A_256 = arith.subi %sub3A_255, %scan3A_253 : i32
      %shift_left3A = arith.constant 1 : i32
      %shift_left3A_257 = arith.shli %shift_left3A, %sub3A_256 : i32
      %or3A = arith.ori %scan3A_254, %shift_left3A_257 : i32
      %xor3A_258 = arith.xori %or3A, %scan3A : i32
      %ge3A_259 = vector.broadcast %xor3A_258 : i32 to vector<80x128xi32>
      %ge3A_260 = arith.cmpi sge, %select_n3A_57, %ge3A_259 : vector<80x128xi32>
      %convert_element_type3A_261 = arith.extui %ge3A_260 : vector<80x128xi1> to vector<80x128xi32>
      %reduce_sum3A_262 = vector.shape_cast %convert_element_type3A_261 : vector<80x128xi32> to vector<1x80x128xi32>
      %reduce_sum3A_263 = arith.constant dense<0> : vector<1xi32>
      %reduce_sum3A_264 = vector.multi_reduction <add>, %reduce_sum3A_262, %reduce_sum3A_263 [1, 2] : vector<1x80x128xi32> to vector<1xi32>
      %reduce_sum3A_265 = vector.shape_cast %reduce_sum3A_264 : vector<1xi32> to vector<1x1x1xi32>
      %reduce_sum3A_266 = vector.extract %reduce_sum3A_265[0, 0, 0] : i32 from vector<1x1x1xi32>
      %ge3A_267 = arith.constant 1000 : i32
      %ge3A_268 = arith.cmpi sge, %reduce_sum3A_266, %ge3A_267 : i32
      %select_n3A_269 = arith.select %ge3A_268, %or3A, %scan3A_254 : i32
      scf.yield %select_n3A_269 : i32
    }
    %scan3A_64 = arith.constant 32 : i32
    %xor3A_65 = arith.constant -2147483648 : i32
    %xor3A_66 = arith.xori %scan3A_63, %xor3A_65 : i32
    %gt3A = vector.broadcast %xor3A_66 : i32 to vector<80x128xi32>
    %gt3A_67 = arith.cmpi sgt, %select_n3A_57, %gt3A : vector<80x128xi32>
    %eq3A = vector.broadcast %xor3A_66 : i32 to vector<80x128xi32>
    %eq3A_68 = arith.cmpi eq, %select_n3A_57, %eq3A : vector<80x128xi32>
    %convert_element_type3A = arith.extui %gt3A_67 : vector<80x128xi1> to vector<80x128xi32>
    %reduce_sum3A_69 = vector.shape_cast %convert_element_type3A : vector<80x128xi32> to vector<1x80x128xi32>
    %reduce_sum3A_70 = arith.constant dense<0> : vector<1xi32>
    %reduce_sum3A_71 = vector.multi_reduction <add>, %reduce_sum3A_69, %reduce_sum3A_70 [1, 2] : vector<1x80x128xi32> to vector<1xi32>
    %reduce_sum3A_72 = vector.shape_cast %reduce_sum3A_71 : vector<1xi32> to vector<1x1x1xi32>
    %reduce_sum3A_73 = vector.extract %reduce_sum3A_72[0, 0, 0] : i32 from vector<1x1x1xi32>
    %sub3A_74 = arith.constant 1000 : i32
    %sub3A_75 = arith.subi %sub3A_74, %reduce_sum3A_73 : i32
    %convert_element_type3A_76 = arith.extui %gt3A_67 : vector<80x128xi1> to vector<80x128xi32>
    %roll3A = arith.constant 1 : i32
    %roll3A_77 = tpu.dynamic_rotate %convert_element_type3A_76 by %roll3A dim 1 : vector<80x128xi32>, i32 -> vector<80x128xi32>
    %iota3A_78 = tpu.iota {dimensions = array<i32: 1>} : vector<80x128xi32>
    %ge3A_79 = arith.constant 1 : i32
    %ge3A_80 = vector.broadcast %ge3A_79 : i32 to vector<80x128xi32>
    %ge3A_81 = arith.cmpi sge, %iota3A_78, %ge3A_80 : vector<80x128xi32>
    %jit3A_82 = arith.constant 0 : i32
    %broadcast_in_dim3A_83 = vector.broadcast %jit3A_82 : i32 to vector<80x128xi32>
    %select_n3A_84 = arith.select %ge3A_81, %roll3A_77, %broadcast_in_dim3A_83 : vector<80x128xi1>, vector<80x128xi32>
    %add3A_85 = arith.addi %convert_element_type3A_76, %select_n3A_84 : vector<80x128xi32>
    %roll3A_86 = arith.constant 2 : i32
    %roll3A_87 = tpu.dynamic_rotate %add3A_85 by %roll3A_86 dim 1 : vector<80x128xi32>, i32 -> vector<80x128xi32>
    %iota3A_88 = tpu.iota {dimensions = array<i32: 1>} : vector<80x128xi32>
    %ge3A_89 = arith.constant 2 : i32
    %ge3A_90 = vector.broadcast %ge3A_89 : i32 to vector<80x128xi32>
    %ge3A_91 = arith.cmpi sge, %iota3A_88, %ge3A_90 : vector<80x128xi32>
    %jit3A_92 = arith.constant 0 : i32
    %broadcast_in_dim3A_93 = vector.broadcast %jit3A_92 : i32 to vector<80x128xi32>
    %select_n3A_94 = arith.select %ge3A_91, %roll3A_87, %broadcast_in_dim3A_93 : vector<80x128xi1>, vector<80x128xi32>
    %add3A_95 = arith.addi %add3A_85, %select_n3A_94 : vector<80x128xi32>
    %roll3A_96 = arith.constant 4 : i32
    %roll3A_97 = tpu.dynamic_rotate %add3A_95 by %roll3A_96 dim 1 : vector<80x128xi32>, i32 -> vector<80x128xi32>
    %iota3A_98 = tpu.iota {dimensions = array<i32: 1>} : vector<80x128xi32>
    %ge3A_99 = arith.constant 4 : i32
    %ge3A_100 = vector.broadcast %ge3A_99 : i32 to vector<80x128xi32>
    %ge3A_101 = arith.cmpi sge, %iota3A_98, %ge3A_100 : vector<80x128xi32>
    %jit3A_102 = arith.constant 0 : i32
    %broadcast_in_dim3A_103 = vector.broadcast %jit3A_102 : i32 to vector<80x128xi32>
    %select_n3A_104 = arith.select %ge3A_101, %roll3A_97, %broadcast_in_dim3A_103 : vector<80x128xi1>, vector<80x128xi32>
    %add3A_105 = arith.addi %add3A_95, %select_n3A_104 : vector<80x128xi32>
    %roll3A_106 = arith.constant 8 : i32
    %roll3A_107 = tpu.dynamic_rotate %add3A_105 by %roll3A_106 dim 1 : vector<80x128xi32>, i32 -> vector<80x128xi32>
    %iota3A_108 = tpu.iota {dimensions = array<i32: 1>} : vector<80x128xi32>
    %ge3A_109 = arith.constant 8 : i32
    %ge3A_110 = vector.broadcast %ge3A_109 : i32 to vector<80x128xi32>
    %ge3A_111 = arith.cmpi sge, %iota3A_108, %ge3A_110 : vector<80x128xi32>
    %jit3A_112 = arith.constant 0 : i32
    %broadcast_in_dim3A_113 = vector.broadcast %jit3A_112 : i32 to vector<80x128xi32>
    %select_n3A_114 = arith.select %ge3A_111, %roll3A_107, %broadcast_in_dim3A_113 : vector<80x128xi1>, vector<80x128xi32>
    %add3A_115 = arith.addi %add3A_105, %select_n3A_114 : vector<80x128xi32>
    %roll3A_116 = arith.constant 16 : i32
    %roll3A_117 = tpu.dynamic_rotate %add3A_115 by %roll3A_116 dim 1 : vector<80x128xi32>, i32 -> vector<80x128xi32>
    %iota3A_118 = tpu.iota {dimensions = array<i32: 1>} : vector<80x128xi32>
    %ge3A_119 = arith.constant 16 : i32
    %ge3A_120 = vector.broadcast %ge3A_119 : i32 to vector<80x128xi32>
    %ge3A_121 = arith.cmpi sge, %iota3A_118, %ge3A_120 : vector<80x128xi32>
    %jit3A_122 = arith.constant 0 : i32
    %broadcast_in_dim3A_123 = vector.broadcast %jit3A_122 : i32 to vector<80x128xi32>
    %select_n3A_124 = arith.select %ge3A_121, %roll3A_117, %broadcast_in_dim3A_123 : vector<80x128xi1>, vector<80x128xi32>
    %add3A_125 = arith.addi %add3A_115, %select_n3A_124 : vector<80x128xi32>
    %roll3A_126 = arith.constant 32 : i32
    %roll3A_127 = tpu.dynamic_rotate %add3A_125 by %roll3A_126 dim 1 : vector<80x128xi32>, i32 -> vector<80x128xi32>
    %iota3A_128 = tpu.iota {dimensions = array<i32: 1>} : vector<80x128xi32>
    %ge3A_129 = arith.constant 32 : i32
    %ge3A_130 = vector.broadcast %ge3A_129 : i32 to vector<80x128xi32>
    %ge3A_131 = arith.cmpi sge, %iota3A_128, %ge3A_130 : vector<80x128xi32>
    %jit3A_132 = arith.constant 0 : i32
    %broadcast_in_dim3A_133 = vector.broadcast %jit3A_132 : i32 to vector<80x128xi32>
    %select_n3A_134 = arith.select %ge3A_131, %roll3A_127, %broadcast_in_dim3A_133 : vector<80x128xi1>, vector<80x128xi32>
    %add3A_135 = arith.addi %add3A_125, %select_n3A_134 : vector<80x128xi32>
    %roll3A_136 = arith.constant 64 : i32
    %roll3A_137 = tpu.dynamic_rotate %add3A_135 by %roll3A_136 dim 1 : vector<80x128xi32>, i32 -> vector<80x128xi32>
    %iota3A_138 = tpu.iota {dimensions = array<i32: 1>} : vector<80x128xi32>
    %ge3A_139 = arith.constant 64 : i32
    %ge3A_140 = vector.broadcast %ge3A_139 : i32 to vector<80x128xi32>
    %ge3A_141 = arith.cmpi sge, %iota3A_138, %ge3A_140 : vector<80x128xi32>
    %jit3A_142 = arith.constant 0 : i32
    %broadcast_in_dim3A_143 = vector.broadcast %jit3A_142 : i32 to vector<80x128xi32>
    %select_n3A_144 = arith.select %ge3A_141, %roll3A_137, %broadcast_in_dim3A_143 : vector<80x128xi1>, vector<80x128xi32>
    %add3A_145 = arith.addi %add3A_135, %select_n3A_144 : vector<80x128xi32>
    %slice3A = vector.extract_strided_slice %add3A_145 {offsets = [0, 127], sizes = [80, 1], strides = [1, 1]} : vector<80x128xi32> to vector<80x1xi32>
    %convert_element_type3A_146 = arith.sitofp %slice3A : vector<80x1xi32> to vector<80x1xf32>
    %iota3A_147 = tpu.iota {dimensions = array<i32: 0>} : vector<80x80xi32>
    %iota3A_148 = tpu.iota {dimensions = array<i32: 1>} : vector<80x80xi32>
    %gt3A_149 = arith.cmpi sgt, %iota3A_147, %iota3A_148 : vector<80x80xi32>
    %convert_element_type3A_150 = arith.extui %gt3A_149 : vector<80x80xi1> to vector<80x80xi32>
    %convert_element_type3A_151 = arith.sitofp %convert_element_type3A_150 : vector<80x80xi32> to vector<80x80xf32>
    %dot_general3A_152 = arith.constant dense<0.000000e+00> : vector<80x1xf32>
    %dot_general3A_153 = tpu.matmul %convert_element_type3A_151, %convert_element_type3A_146, %dot_general3A_152 {dimension_numbers = #tpu.dot_dimension_numbers<[1], [0], [0], [1], [0, 0, 1, 1], [], []>, transpose_lhs_hint = false} : vector<80x80xf32>, vector<80x1xf32>, vector<80x1xf32> -> vector<80x1xf32>
    %sub3A_154 = arith.subi %add3A_145, %convert_element_type3A_76 : vector<80x128xi32>
    %convert_element_type3A_155 = arith.fptosi %dot_general3A_153 : vector<80x1xf32> to vector<80x1xi32>
    %add3A_156 = vector.broadcast %convert_element_type3A_155 : vector<80x1xi32> to vector<80x128xi32>
    %add3A_157 = arith.addi %sub3A_154, %add3A_156 : vector<80x128xi32>
    %convert_element_type3A_158 = arith.extui %eq3A_68 : vector<80x128xi1> to vector<80x128xi32>
    %roll3A_159 = arith.constant 1 : i32
    %roll3A_160 = tpu.dynamic_rotate %convert_element_type3A_158 by %roll3A_159 dim 1 : vector<80x128xi32>, i32 -> vector<80x128xi32>
    %iota3A_161 = tpu.iota {dimensions = array<i32: 1>} : vector<80x128xi32>
    %ge3A_162 = arith.constant 1 : i32
    %ge3A_163 = vector.broadcast %ge3A_162 : i32 to vector<80x128xi32>
    %ge3A_164 = arith.cmpi sge, %iota3A_161, %ge3A_163 : vector<80x128xi32>
    %jit3A_165 = arith.constant 0 : i32
    %broadcast_in_dim3A_166 = vector.broadcast %jit3A_165 : i32 to vector<80x128xi32>
    %select_n3A_167 = arith.select %ge3A_164, %roll3A_160, %broadcast_in_dim3A_166 : vector<80x128xi1>, vector<80x128xi32>
    %add3A_168 = arith.addi %convert_element_type3A_158, %select_n3A_167 : vector<80x128xi32>
    %roll3A_169 = arith.constant 2 : i32
    %roll3A_170 = tpu.dynamic_rotate %add3A_168 by %roll3A_169 dim 1 : vector<80x128xi32>, i32 -> vector<80x128xi32>
    %iota3A_171 = tpu.iota {dimensions = array<i32: 1>} : vector<80x128xi32>
    %ge3A_172 = arith.constant 2 : i32
    %ge3A_173 = vector.broadcast %ge3A_172 : i32 to vector<80x128xi32>
    %ge3A_174 = arith.cmpi sge, %iota3A_171, %ge3A_173 : vector<80x128xi32>
    %jit3A_175 = arith.constant 0 : i32
    %broadcast_in_dim3A_176 = vector.broadcast %jit3A_175 : i32 to vector<80x128xi32>
    %select_n3A_177 = arith.select %ge3A_174, %roll3A_170, %broadcast_in_dim3A_176 : vector<80x128xi1>, vector<80x128xi32>
    %add3A_178 = arith.addi %add3A_168, %select_n3A_177 : vector<80x128xi32>
    %roll3A_179 = arith.constant 4 : i32
    %roll3A_180 = tpu.dynamic_rotate %add3A_178 by %roll3A_179 dim 1 : vector<80x128xi32>, i32 -> vector<80x128xi32>
    %iota3A_181 = tpu.iota {dimensions = array<i32: 1>} : vector<80x128xi32>
    %ge3A_182 = arith.constant 4 : i32
    %ge3A_183 = vector.broadcast %ge3A_182 : i32 to vector<80x128xi32>
    %ge3A_184 = arith.cmpi sge, %iota3A_181, %ge3A_183 : vector<80x128xi32>
    %jit3A_185 = arith.constant 0 : i32
    %broadcast_in_dim3A_186 = vector.broadcast %jit3A_185 : i32 to vector<80x128xi32>
    %select_n3A_187 = arith.select %ge3A_184, %roll3A_180, %broadcast_in_dim3A_186 : vector<80x128xi1>, vector<80x128xi32>
    %add3A_188 = arith.addi %add3A_178, %select_n3A_187 : vector<80x128xi32>
    %roll3A_189 = arith.constant 8 : i32
    %roll3A_190 = tpu.dynamic_rotate %add3A_188 by %roll3A_189 dim 1 : vector<80x128xi32>, i32 -> vector<80x128xi32>
    %iota3A_191 = tpu.iota {dimensions = array<i32: 1>} : vector<80x128xi32>
    %ge3A_192 = arith.constant 8 : i32
    %ge3A_193 = vector.broadcast %ge3A_192 : i32 to vector<80x128xi32>
    %ge3A_194 = arith.cmpi sge, %iota3A_191, %ge3A_193 : vector<80x128xi32>
    %jit3A_195 = arith.constant 0 : i32
    %broadcast_in_dim3A_196 = vector.broadcast %jit3A_195 : i32 to vector<80x128xi32>
    %select_n3A_197 = arith.select %ge3A_194, %roll3A_190, %broadcast_in_dim3A_196 : vector<80x128xi1>, vector<80x128xi32>
    %add3A_198 = arith.addi %add3A_188, %select_n3A_197 : vector<80x128xi32>
    %roll3A_199 = arith.constant 16 : i32
    %roll3A_200 = tpu.dynamic_rotate %add3A_198 by %roll3A_199 dim 1 : vector<80x128xi32>, i32 -> vector<80x128xi32>
    %iota3A_201 = tpu.iota {dimensions = array<i32: 1>} : vector<80x128xi32>
    %ge3A_202 = arith.constant 16 : i32
    %ge3A_203 = vector.broadcast %ge3A_202 : i32 to vector<80x128xi32>
    %ge3A_204 = arith.cmpi sge, %iota3A_201, %ge3A_203 : vector<80x128xi32>
    %jit3A_205 = arith.constant 0 : i32
    %broadcast_in_dim3A_206 = vector.broadcast %jit3A_205 : i32 to vector<80x128xi32>
    %select_n3A_207 = arith.select %ge3A_204, %roll3A_200, %broadcast_in_dim3A_206 : vector<80x128xi1>, vector<80x128xi32>
    %add3A_208 = arith.addi %add3A_198, %select_n3A_207 : vector<80x128xi32>
    %roll3A_209 = arith.constant 32 : i32
    %roll3A_210 = tpu.dynamic_rotate %add3A_208 by %roll3A_209 dim 1 : vector<80x128xi32>, i32 -> vector<80x128xi32>
    %iota3A_211 = tpu.iota {dimensions = array<i32: 1>} : vector<80x128xi32>
    %ge3A_212 = arith.constant 32 : i32
    %ge3A_213 = vector.broadcast %ge3A_212 : i32 to vector<80x128xi32>
    %ge3A_214 = arith.cmpi sge, %iota3A_211, %ge3A_213 : vector<80x128xi32>
    %jit3A_215 = arith.constant 0 : i32
    %broadcast_in_dim3A_216 = vector.broadcast %jit3A_215 : i32 to vector<80x128xi32>
    %select_n3A_217 = arith.select %ge3A_214, %roll3A_210, %broadcast_in_dim3A_216 : vector<80x128xi1>, vector<80x128xi32>
    %add3A_218 = arith.addi %add3A_208, %select_n3A_217 : vector<80x128xi32>
    %roll3A_219 = arith.constant 64 : i32
    %roll3A_220 = tpu.dynamic_rotate %add3A_218 by %roll3A_219 dim 1 : vector<80x128xi32>, i32 -> vector<80x128xi32>
    %iota3A_221 = tpu.iota {dimensions = array<i32: 1>} : vector<80x128xi32>
    %ge3A_222 = arith.constant 64 : i32
    %ge3A_223 = vector.broadcast %ge3A_222 : i32 to vector<80x128xi32>
    %ge3A_224 = arith.cmpi sge, %iota3A_221, %ge3A_223 : vector<80x128xi32>
    %jit3A_225 = arith.constant 0 : i32
    %broadcast_in_dim3A_226 = vector.broadcast %jit3A_225 : i32 to vector<80x128xi32>
    %select_n3A_227 = arith.select %ge3A_224, %roll3A_220, %broadcast_in_dim3A_226 : vector<80x128xi1>, vector<80x128xi32>
    %add3A_228 = arith.addi %add3A_218, %select_n3A_227 : vector<80x128xi32>
    %slice3A_229 = vector.extract_strided_slice %add3A_228 {offsets = [0, 127], sizes = [80, 1], strides = [1, 1]} : vector<80x128xi32> to vector<80x1xi32>
    %convert_element_type3A_230 = arith.sitofp %slice3A_229 : vector<80x1xi32> to vector<80x1xf32>
    %iota3A_231 = tpu.iota {dimensions = array<i32: 0>} : vector<80x80xi32>
    %iota3A_232 = tpu.iota {dimensions = array<i32: 1>} : vector<80x80xi32>
    %gt3A_233 = arith.cmpi sgt, %iota3A_231, %iota3A_232 : vector<80x80xi32>
    %convert_element_type3A_234 = arith.extui %gt3A_233 : vector<80x80xi1> to vector<80x80xi32>
    %convert_element_type3A_235 = arith.sitofp %convert_element_type3A_234 : vector<80x80xi32> to vector<80x80xf32>
    %dot_general3A_236 = arith.constant dense<0.000000e+00> : vector<80x1xf32>
    %dot_general3A_237 = tpu.matmul %convert_element_type3A_235, %convert_element_type3A_230, %dot_general3A_236 {dimension_numbers = #tpu.dot_dimension_numbers<[1], [0], [0], [1], [0, 0, 1, 1], [], []>, transpose_lhs_hint = false} : vector<80x80xf32>, vector<80x1xf32>, vector<80x1xf32> -> vector<80x1xf32>
    %sub3A_238 = arith.subi %add3A_228, %convert_element_type3A_158 : vector<80x128xi32>
    %convert_element_type3A_239 = arith.fptosi %dot_general3A_237 : vector<80x1xf32> to vector<80x1xi32>
    %add3A_240 = vector.broadcast %convert_element_type3A_239 : vector<80x1xi32> to vector<80x128xi32>
    %add3A_241 = arith.addi %sub3A_238, %add3A_240 : vector<80x128xi32>
    %jit3A_242 = arith.constant -1 : i32
    %broadcast_in_dim3A_243 = vector.broadcast %jit3A_242 : i32 to vector<80x128xi32>
    %select_n3A_244 = arith.select %gt3A_67, %add3A_157, %broadcast_in_dim3A_243 : vector<80x128xi1>, vector<80x128xi32>
    %lt3A_245 = vector.broadcast %sub3A_75 : i32 to vector<80x128xi32>
    %lt3A_246 = arith.cmpi slt, %add3A_241, %lt3A_245 : vector<80x128xi32>
    %and3A = arith.andi %eq3A_68, %lt3A_246 : vector<80x128xi1>
    %add3A_247 = vector.broadcast %reduce_sum3A_73 : i32 to vector<80x128xi32>
    %add3A_248 = arith.addi %add3A_247, %add3A_241 : vector<80x128xi32>
    %select_n3A_249 = arith.select %and3A, %add3A_248, %select_n3A_244 : vector<80x128xi1>, vector<80x128xi32>
    %swap3A_250 = arith.constant 0 : index
    %swap3A_251 = arith.constant 0 : index
    %swap3A_252 = vector.load %arg3[%swap3A_250, %swap3A_251] : memref<80x128xi32, #tpu.memory_space<vmem>>, vector<80x128xi32>
    tpu.vector_store %arg3[%swap3A_250, %swap3A_251], %select_n3A_249 {strides = array<i32>} : memref<80x128xi32, #tpu.memory_space<vmem>>, vector<80x128xi32>,
    return
  }
}

module attributes {stable_mosaic.version = 14 : i64} {
  func.func @_p2b_body(%arg0: i32, %arg1: memref<1024x1xi32, #tpu.memory_space<vmem>>, %arg2: memref<1024x128xf32, #tpu.memory_space<vmem>>, %arg3: memref<1024x8xf32, #tpu.memory_space<vmem>>, %arg4: memref<1024x128xf32, #tpu.memory_space<vmem>>, %arg5: memref<1024x8xf32, #tpu.memory_space<vmem>>, %arg6: memref<1x1xf32, #tpu.memory_space<vmem>>) attributes {dimension_semantics = [#tpu.dimension_semantics<arbitrary>], iteration_bounds = array<i64: 10>, scalar_prefetch = 0 : i64, scratch_operands = 0 : i64, tpu.core_type = #tpu.core_type<tc>, window_params = [{transform_indices = @transform_0, window_bounds = array<i64: 1024, 1>}, {transform_indices = @transform_1, window_bounds = array<i64: 1024, 128>}, {transform_indices = @transform_2, window_bounds = array<i64: 1024, 8>}, {pipeline_mode = #tpu.pipeline_mode<synchronous>, transform_indices = @transform_3, window_bounds = array<i64: 1024, 128>}, {pipeline_mode = #tpu.pipeline_mode<synchronous>, transform_indices = @transform_4, window_bounds = array<i64: 1024, 8>}, {pipeline_mode = #tpu.pipeline_mode<synchronous>, transform_indices = @transform_5, window_bounds = array<i64: 1, 1>}]} {
    %eq3A = arith.constant 0 : i32
    %eq3A_0 = arith.cmpi eq, %arg0, %eq3A : i32
    %convert_element_type3A = arith.extui %eq3A_0 : i1 to i32
    %cond3A = arith.constant 0 : i32
    %cond3A_1 = arith.cmpi ne, %convert_element_type3A, %cond3A : i32
    scf.if %cond3A_1 {
      %broadcast_in_dim3A = arith.constant 0.000000e+00 : f32
      %broadcast_in_dim3A_39 = vector.broadcast %broadcast_in_dim3A : f32 to vector<1024x128xf32>
      %swap3A_40 = arith.constant 0 : index
      %swap3A_41 = arith.constant 0 : index
      %swap3A_42 = vector.load %arg4[%swap3A_40, %swap3A_41] : memref<1024x128xf32, #tpu.memory_space<vmem>>, vector<1024x128xf32>
      tpu.vector_store %arg4[%swap3A_40, %swap3A_41], %broadcast_in_dim3A_39 {strides = array<i32>} : memref<1024x128xf32, #tpu.memory_space<vmem>>, vector<1024x128xf32>,
      %broadcast_in_dim3A_43 = arith.constant 0.000000e+00 : f32
      %broadcast_in_dim3A_44 = vector.broadcast %broadcast_in_dim3A_43 : f32 to vector<1024x8xf32>
      %swap3A_45 = arith.constant 0 : index
      %swap3A_46 = arith.constant 0 : index
      %swap3A_47 = vector.load %arg5[%swap3A_45, %swap3A_46] : memref<1024x8xf32, #tpu.memory_space<vmem>>, vector<1024x8xf32>
      tpu.vector_store %arg5[%swap3A_45, %swap3A_46], %broadcast_in_dim3A_44 {strides = array<i32>} : memref<1024x8xf32, #tpu.memory_space<vmem>>, vector<1024x8xf32>,
    } else {
    }
    %get3A = arith.constant 0 : index
    %get3A_2 = arith.constant 0 : index
    %get3A_3 = vector.load %arg1[%get3A, %get3A_2] : memref<1024x1xi32, #tpu.memory_space<vmem>>, vector<1024x1xi32>
    %iota3A = tpu.iota {dimensions = array<i32: 1>} : vector<1024x1024xi32>
    %eq3A_4 = vector.broadcast %get3A_3 : vector<1024x1xi32> to vector<1024x1024xi32>
    %eq3A_5 = arith.cmpi eq, %eq3A_4, %iota3A : vector<1024x1024xi32>
    %convert_element_type3A_6 = arith.extui %eq3A_5 : vector<1024x1024xi1> to vector<1024x1024xi32>
    %convert_element_type3A_7 = arith.sitofp %convert_element_type3A_6 : vector<1024x1024xi32> to vector<1024x1024xf32>
    %get3A_8 = arith.constant 0 : index
    %get3A_9 = arith.constant 0 : index
    %get3A_10 = vector.load %arg4[%get3A_8, %get3A_9] : memref<1024x128xf32, #tpu.memory_space<vmem>>, vector<1024x128xf32>
    %get3A_11 = arith.constant 0 : index
    %get3A_12 = arith.constant 0 : index
    %get3A_13 = vector.load %arg2[%get3A_11, %get3A_12] : memref<1024x128xf32, #tpu.memory_space<vmem>>, vector<1024x128xf32>
    %convert_element_type3A_14 = arith.truncf %get3A_13 : vector<1024x128xf32> to vector<1024x128xbf16>
    %convert_element_type3A_15 = arith.extf %convert_element_type3A_14 : vector<1024x128xbf16> to vector<1024x128xf32>
    %sub3A = arith.subf %get3A_13, %convert_element_type3A_15 : vector<1024x128xf32>
    %dot_general3A = arith.constant dense<0.000000e+00> : vector<1024x128xf32>
    %dot_general3A_16 = tpu.matmul %convert_element_type3A_7, %convert_element_type3A_15, %dot_general3A {dimension_numbers = #tpu.dot_dimension_numbers<[0], [0], [1], [1], [0, 1, 1, 1], [], []>, transpose_lhs_hint = false} : vector<1024x1024xf32>, vector<1024x128xf32>, vector<1024x128xf32> -> vector<1024x128xf32>
    %dot_general3A_17 = arith.constant dense<0.000000e+00> : vector<1024x128xf32>
    %dot_general3A_18 = tpu.matmul %convert_element_type3A_7, %sub3A, %dot_general3A_17 {dimension_numbers = #tpu.dot_dimension_numbers<[0], [0], [1], [1], [0, 1, 1, 1], [], []>, transpose_lhs_hint = false} : vector<1024x1024xf32>, vector<1024x128xf32>, vector<1024x128xf32> -> vector<1024x128xf32>
    %add3A = arith.addf %dot_general3A_16, %dot_general3A_18 : vector<1024x128xf32>
    %add3A_19 = arith.addf %get3A_10, %add3A : vector<1024x128xf32>
    %swap3A = arith.constant 0 : index
    %swap3A_20 = arith.constant 0 : index
    %swap3A_21 = vector.load %arg4[%swap3A, %swap3A_20] : memref<1024x128xf32, #tpu.memory_space<vmem>>, vector<1024x128xf32>
    tpu.vector_store %arg4[%swap3A, %swap3A_20], %add3A_19 {strides = array<i32>} : memref<1024x128xf32, #tpu.memory_space<vmem>>, vector<1024x128xf32>,
    %get3A_22 = arith.constant 0 : index
    %get3A_23 = arith.constant 0 : index
    %get3A_24 = vector.load %arg5[%get3A_22, %get3A_23] : memref<1024x8xf32, #tpu.memory_space<vmem>>, vector<1024x8xf32>
    %get3A_25 = arith.constant 0 : index
    %get3A_26 = arith.constant 0 : index
    %get3A_27 = vector.load %arg3[%get3A_25, %get3A_26] : memref<1024x8xf32, #tpu.memory_space<vmem>>, vector<1024x8xf32>
    %dot_general3A_28 = arith.constant dense<0.000000e+00> : vector<1024x8xf32>
    %dot_general3A_29 = tpu.matmul %convert_element_type3A_7, %get3A_27, %dot_general3A_28 {dimension_numbers = #tpu.dot_dimension_numbers<[0], [0], [1], [1], [0, 1, 1, 1], [], []>, precision = #tpu.contract_precision<fp32>, transpose_lhs_hint = false} : vector<1024x1024xf32>, vector<1024x8xf32>, vector<1024x8xf32> -> vector<1024x8xf32>
    %add3A_30 = arith.addf %get3A_24, %dot_general3A_29 : vector<1024x8xf32>
    %swap3A_31 = arith.constant 0 : index
    %swap3A_32 = arith.constant 0 : index
    %swap3A_33 = vector.load %arg5[%swap3A_31, %swap3A_32] : memref<1024x8xf32, #tpu.memory_space<vmem>>, vector<1024x8xf32>
    tpu.vector_store %arg5[%swap3A_31, %swap3A_32], %add3A_30 {strides = array<i32>} : memref<1024x8xf32, #tpu.memory_space<vmem>>, vector<1024x8xf32>,
    %eq3A_34 = arith.constant 9 : i32
    %eq3A_35 = arith.cmpi eq, %arg0, %eq3A_34 : i32
    %convert_element_type3A_36 = arith.extui %eq3A_35 : i1 to i32
    %cond3A_37 = arith.constant 0 : i32
    %cond3A_38 = arith.cmpi ne, %convert_element_type3A_36, %cond3A_37 : i32
    scf.if %cond3A_38 {
      %get3A_39 = arith.constant 0 : index
      %get3A_40 = arith.constant 3 : index
      %get3A_41 = vector.load %arg5[%get3A_39, %get3A_40] : memref<1024x8xf32, #tpu.memory_space<vmem>>, vector<1024x1xf32>
      %logistic3A = arith.negf %get3A_41 : vector<1024x1xf32>
      %logistic3A_42 = math.exp %logistic3A : vector<1024x1xf32>
      %logistic3A_43 = arith.constant 1.000000e+00 : f32
      %logistic3A_44 = vector.broadcast %logistic3A_43 : f32 to vector<1024x1xf32>
      %logistic3A_45 = arith.addf %logistic3A_44, %logistic3A_42 : vector<1024x1xf32>
      %logistic3A_46 = arith.divf %logistic3A_44, %logistic3A_45 : vector<1024x1xf32>
      %get3A_47 = arith.constant 0 : index
      %get3A_48 = arith.constant 0 : index
      %get3A_49 = vector.load %arg4[%get3A_47, %get3A_48] : memref<1024x128xf32, #tpu.memory_space<vmem>>, vector<1024x128xf32>
      %mul3A = vector.broadcast %logistic3A_46 : vector<1024x1xf32> to vector<1024x128xf32>
      %mul3A_50 = arith.mulf %get3A_49, %mul3A : vector<1024x128xf32>
      %swap3A_51 = arith.constant 0 : index
      %swap3A_52 = arith.constant 0 : index
      %swap3A_53 = vector.load %arg4[%swap3A_51, %swap3A_52] : memref<1024x128xf32, #tpu.memory_space<vmem>>, vector<1024x128xf32>
      tpu.vector_store %arg4[%swap3A_51, %swap3A_52], %mul3A_50 {strides = array<i32>} : memref<1024x128xf32, #tpu.memory_space<vmem>>, vector<1024x128xf32>,
      %iota3A_54 = tpu.iota {dimensions = array<i32: 0>} : vector<1024x1xi32>
      %jit3A = arith.constant 9.99999997E-7 : f32
      %jit3A_55 = arith.constant 0.999998986 : f32
      %max3A = vector.broadcast %jit3A : f32 to vector<1024x1xf32>
      %max3A_56 = arith.maximumf %max3A, %logistic3A_46 : vector<1024x1xf32>
      %min3A = vector.broadcast %jit3A_55 : f32 to vector<1024x1xf32>
      %min3A_57 = arith.minimumf %min3A, %max3A_56 : vector<1024x1xf32>
      %mul3A_58 = arith.constant 2.000000e+00 : f32
      %mul3A_59 = vector.broadcast %mul3A_58 : f32 to vector<1024x1xf32>
      %mul3A_60 = arith.mulf %mul3A_59, %min3A_57 : vector<1024x1xf32>
      %log3A = math.log %mul3A_60 : vector<1024x1xf32>
      %mul3A_61 = arith.mulf %min3A_57, %log3A : vector<1024x1xf32>
      %sub3A_62 = arith.constant 1.000000e+00 : f32
      %sub3A_63 = vector.broadcast %sub3A_62 : f32 to vector<1024x1xf32>
      %sub3A_64 = arith.subf %sub3A_63, %min3A_57 : vector<1024x1xf32>
      %sub3A_65 = arith.constant 1.000000e+00 : f32
      %sub3A_66 = vector.broadcast %sub3A_65 : f32 to vector<1024x1xf32>
      %sub3A_67 = arith.subf %sub3A_66, %min3A_57 : vector<1024x1xf32>
      %mul3A_68 = arith.constant 2.000000e+00 : f32
      %mul3A_69 = vector.broadcast %mul3A_68 : f32 to vector<1024x1xf32>
      %mul3A_70 = arith.mulf %mul3A_69, %sub3A_67 : vector<1024x1xf32>
      %log3A_71 = math.log %mul3A_70 : vector<1024x1xf32>
      %mul3A_72 = arith.mulf %sub3A_64, %log3A_71 : vector<1024x1xf32>
      %add3A_73 = arith.addf %mul3A_61, %mul3A_72 : vector<1024x1xf32>
      %lt3A = arith.constant 1000 : i32
      %lt3A_74 = vector.broadcast %lt3A : i32 to vector<1024x1xi32>
      %lt3A_75 = arith.cmpi slt, %iota3A_54, %lt3A_74 : vector<1024x1xi32>
      %jit3A_76 = arith.constant 0.000000e+00 : f32
      %broadcast_in_dim3A = vector.broadcast %jit3A_76 : f32 to vector<1024x1xf32>
      %select_n3A = arith.select %lt3A_75, %add3A_73, %broadcast_in_dim3A : vector<1024x1xi1>, vector<1024x1xf32>
      %reduce_sum3A = vector.shape_cast %select_n3A : vector<1024x1xf32> to vector<1x1024x1xf32>
      %reduce_sum3A_77 = arith.constant dense<0.000000e+00> : vector<1xf32>
      %reduce_sum3A_78 = vector.multi_reduction <add>, %reduce_sum3A, %reduce_sum3A_77 [1, 2] : vector<1x1024x1xf32> to vector<1xf32>
      %reduce_sum3A_79 = vector.shape_cast %reduce_sum3A_78 : vector<1xf32> to vector<1x1x1xf32>
      %reduce_sum3A_80 = vector.extract %reduce_sum3A_79[0, 0, 0] : f32 from vector<1x1x1xf32>
      %div3A = arith.constant 1.000000e+03 : f32
      %div3A_81 = arith.divf %reduce_sum3A_80, %div3A : f32
      %reshape3A = vector.broadcast %div3A_81 : f32 to vector<1x1xf32>
      %swap3A_82 = arith.constant 0 : index
      %swap3A_83 = arith.constant 0 : index
      %swap3A_84 = vector.load %arg6[%swap3A_82, %swap3A_83] : memref<1x1xf32, #tpu.memory_space<vmem>>, vector<1x1xf32>
      tpu.vector_store %arg6[%swap3A_82, %swap3A_83], %reshape3A {strides = array<i32>} : memref<1x1xf32, #tpu.memory_space<vmem>>, vector<1x1xf32>,
    } else {
    }
    return
  }
  func.func @transform_0(%arg0: i32) -> (i32, i32) {
    %c0_i32 = arith.constant 0 : i32
    %c0_i32_0 = arith.constant 0 : i32
    return %arg0, %c0_i32 : i32, i32
  }
  func.func @transform_1(%arg0: i32) -> (i32, i32) {
    %c0_i32 = arith.constant 0 : i32
    %c0_i32_0 = arith.constant 0 : i32
    return %arg0, %c0_i32 : i32, i32
  }
  func.func @transform_2(%arg0: i32) -> (i32, i32) {
    %c0_i32 = arith.constant 0 : i32
    %c0_i32_0 = arith.constant 0 : i32
    return %arg0, %c0_i32 : i32, i32
  }
  func.func @transform_3(%arg0: i32) -> (i32, i32) {
    %c0_i32 = arith.constant 0 : i32
    %c0_i32_0 = arith.constant 0 : i32
    %c0_i32_1 = arith.constant 0 : i32
    return %c0_i32, %c0_i32_0 : i32, i32
  }
  func.func @transform_4(%arg0: i32) -> (i32, i32) {
    %c0_i32 = arith.constant 0 : i32
    %c0_i32_0 = arith.constant 0 : i32
    %c0_i32_1 = arith.constant 0 : i32
    return %c0_i32, %c0_i32_0 : i32, i32
  }
  func.func @transform_5(%arg0: i32) -> (i32, i32) {
    %c0_i32 = arith.constant 0 : i32
    %c0_i32_0 = arith.constant 0 : i32
    %c0_i32_1 = arith.constant 0 : i32
    return %c0_i32, %c0_i32_0 : i32, i32
  }
}

module attributes {stable_mosaic.version = 14 : i64} {
  func.func @_p3_body(%arg0: i32, %arg1: memref<2048x4xf32, #tpu.memory_space<vmem>>, %arg2: memref<4x1024xf32, #tpu.memory_space<vmem>>, %arg3: memref<2048x1xi32, #tpu.memory_space<vmem>>) attributes {dimension_semantics = [#tpu.dimension_semantics<arbitrary>], iteration_bounds = array<i64: 5>, scalar_prefetch = 0 : i64, scratch_operands = 0 : i64, tpu.core_type = #tpu.core_type<tc>, window_params = [{transform_indices = @transform_0, window_bounds = array<i64: 2048, 4>}, {pipeline_mode = #tpu.pipeline_mode<synchronous>, transform_indices = @transform_1, window_bounds = array<i64: 4, 1024>}, {transform_indices = @transform_2, window_bounds = array<i64: 2048, 1>}]} {
    %get3A = arith.constant 0 : index
    %get3A_0 = arith.constant 0 : index
    %get3A_1 = vector.load %arg1[%get3A, %get3A_0] : memref<2048x4xf32, #tpu.memory_space<vmem>>, vector<2048x4xf32>
    %get3A_2 = arith.constant 0 : index
    %get3A_3 = arith.constant 0 : index
    %get3A_4 = vector.load %arg2[%get3A_2, %get3A_3] : memref<4x1024xf32, #tpu.memory_space<vmem>>, vector<4x1024xf32>
    %dot_general3A = arith.constant dense<0.000000e+00> : vector<2048x1024xf32>
    %dot_general3A_5 = tpu.matmul %get3A_1, %get3A_4, %dot_general3A {dimension_numbers = #tpu.dot_dimension_numbers<[1], [0], [0], [1], [0, 0, 1, 1], [], []>, transpose_lhs_hint = false} : vector<2048x4xf32>, vector<4x1024xf32>, vector<2048x1024xf32> -> vector<2048x1024xf32>
    %mul3A = arith.mulf %get3A_1, %get3A_1 : vector<2048x4xf32>
    %reduce_sum3A = arith.constant dense<0.000000e+00> : vector<2048xf32>
    %reduce_sum3A_6 = vector.multi_reduction <add>, %mul3A, %reduce_sum3A [1] : vector<2048x4xf32> to vector<2048xf32>
    %broadcast_in_dim3A = vector.shape_cast %reduce_sum3A_6 : vector<2048xf32> to vector<2048x1xf32>
    %mul3A_7 = arith.mulf %get3A_4, %get3A_4 : vector<4x1024xf32>
    %reduce_sum3A_8 = arith.constant dense<0.000000e+00> : vector<1024xf32>
    %reduce_sum3A_9 = vector.multi_reduction <add>, %mul3A_7, %reduce_sum3A_8 [0] : vector<4x1024xf32> to vector<1024xf32>
    %broadcast_in_dim3A_10 = vector.shape_cast %reduce_sum3A_9 : vector<1024xf32> to vector<1x1024xf32>
    %add3A = vector.broadcast %broadcast_in_dim3A : vector<2048x1xf32> to vector<2048x1024xf32>
    %add3A_11 = vector.broadcast %broadcast_in_dim3A_10 : vector<1x1024xf32> to vector<2048x1024xf32>
    %add3A_12 = arith.addf %add3A, %add3A_11 : vector<2048x1024xf32>
    %mul3A_13 = arith.constant 2.000000e+00 : f32
    %mul3A_14 = vector.broadcast %mul3A_13 : f32 to vector<2048x1024xf32>
    %mul3A_15 = arith.mulf %mul3A_14, %dot_general3A_5 : vector<2048x1024xf32>
    %sub3A = arith.subf %add3A_12, %mul3A_15 : vector<2048x1024xf32>
    %iota3A = tpu.iota {dimensions = array<i32: 1>} : vector<2048x1024xi32>
    %ge3A = arith.constant 1000 : i32
    %ge3A_16 = vector.broadcast %ge3A : i32 to vector<2048x1024xi32>
    %ge3A_17 = arith.cmpi sge, %iota3A, %ge3A_16 : vector<2048x1024xi32>
    %jit3A = arith.constant 3.000000e+38 : f32
    %jit3A_18 = arith.constant 0.000000e+00 : f32
    %broadcast_in_dim3A_19 = vector.broadcast %jit3A : f32 to vector<2048x1024xf32>
    %broadcast_in_dim3A_20 = vector.broadcast %jit3A_18 : f32 to vector<2048x1024xf32>
    %select_n3A = arith.select %ge3A_17, %broadcast_in_dim3A_19, %broadcast_in_dim3A_20 : vector<2048x1024xi1>, vector<2048x1024xf32>
    %add3A_21 = arith.addf %sub3A, %select_n3A : vector<2048x1024xf32>
    %reduce_min3A = arith.constant dense<0x7F800000> : vector<2048xf32>
    %reduce_min3A_22 = vector.multi_reduction <minimumf>, %add3A_21, %reduce_min3A [1] : vector<2048x1024xf32> to vector<2048xf32>
    %broadcast_in_dim3A_23 = vector.shape_cast %reduce_min3A_22 : vector<2048xf32> to vector<2048x1xf32>
    %eq3A = vector.broadcast %broadcast_in_dim3A_23 : vector<2048x1xf32> to vector<2048x1024xf32>
    %eq3A_24 = arith.cmpf oeq, %add3A_21, %eq3A : vector<2048x1024xf32>
    %jit3A_25 = arith.constant 1073741824 : i32
    %broadcast_in_dim3A_26 = vector.broadcast %jit3A_25 : i32 to vector<2048x1024xi32>
    %select_n3A_27 = arith.select %eq3A_24, %iota3A, %broadcast_in_dim3A_26 : vector<2048x1024xi1>, vector<2048x1024xi32>
    %reduce_min3A_28 = arith.constant dense<2147483647> : vector<2048xi32>
    %reduce_min3A_29 = vector.multi_reduction <minsi>, %select_n3A_27, %reduce_min3A_28 [1] : vector<2048x1024xi32> to vector<2048xi32>
    %broadcast_in_dim3A_30 = vector.shape_cast %reduce_min3A_29 : vector<2048xi32> to vector<2048x1xi32>
    %swap3A = arith.constant 0 : index
    %swap3A_31 = arith.constant 0 : index
    %swap3A_32 = vector.load %arg3[%swap3A, %swap3A_31] : memref<2048x1xi32, #tpu.memory_space<vmem>>, vector<2048x1xi32>
    tpu.vector_store %arg3[%swap3A, %swap3A_31], %broadcast_in_dim3A_30 {strides = array<i32>} : memref<2048x1xi32, #tpu.memory_space<vmem>>, vector<2048x1xi32>,
    return
  }
  func.func @transform_0(%arg0: i32) -> (i32, i32) {
    %c0_i32 = arith.constant 0 : i32
    %c0_i32_0 = arith.constant 0 : i32
    return %arg0, %c0_i32 : i32, i32
  }
  func.func @transform_1(%arg0: i32) -> (i32, i32) {
    %c0_i32 = arith.constant 0 : i32
    %c0_i32_0 = arith.constant 0 : i32
    %c0_i32_1 = arith.constant 0 : i32
    return %c0_i32, %c0_i32_0 : i32, i32
  }
  func.func @transform_2(%arg0: i32) -> (i32, i32) {
    %c0_i32 = arith.constant 0 : i32
    %c0_i32_0 = arith.constant 0 : i32
    return %arg0, %c0_i32 : i32, i32
  }
}

module attributes {stable_mosaic.version = 14 : i64} {
  func.func @_p4_body(%arg0: i32, %arg1: memref<1024x1xi32, #tpu.memory_space<vmem>>, %arg2: memref<1024x128xf32, #tpu.memory_space<vmem>>, %arg3: memref<1024x4xf32, #tpu.memory_space<vmem>>, %arg4: memref<1024x4xf32, #tpu.memory_space<vmem>>, %arg5: memref<4x128xf32, #tpu.memory_space<vmem>>, %arg6: memref<1024x128xf32, #tpu.memory_space<vmem>>, %arg7: memref<1024x128xf32, #tpu.memory_space<vmem>>, %arg8: memref<1024x8xf32, #tpu.memory_space<vmem>>, %arg9: memref<1024x128xf32, #tpu.memory_space<vmem>>) attributes {dimension_semantics = [#tpu.dimension_semantics<arbitrary>], iteration_bounds = array<i64: 10>, scalar_prefetch = 0 : i64, scratch_operands = 0 : i64, tpu.core_type = #tpu.core_type<tc>, window_params = [{transform_indices = @transform_0, window_bounds = array<i64: 1024, 1>}, {transform_indices = @transform_1, window_bounds = array<i64: 1024, 128>}, {transform_indices = @transform_2, window_bounds = array<i64: 1024, 4>}, {pipeline_mode = #tpu.pipeline_mode<synchronous>, transform_indices = @transform_3, window_bounds = array<i64: 1024, 4>}, {pipeline_mode = #tpu.pipeline_mode<synchronous>, transform_indices = @transform_4, window_bounds = array<i64: 4, 128>}, {pipeline_mode = #tpu.pipeline_mode<synchronous>, transform_indices = @transform_5, window_bounds = array<i64: 1024, 128>}, {pipeline_mode = #tpu.pipeline_mode<synchronous>, transform_indices = @transform_6, window_bounds = array<i64: 1024, 128>}, {pipeline_mode = #tpu.pipeline_mode<synchronous>, transform_indices = @transform_7, window_bounds = array<i64: 1024, 8>}, {pipeline_mode = #tpu.pipeline_mode<synchronous>, transform_indices = @transform_8, window_bounds = array<i64: 1024, 128>}]} {
    %eq3A = arith.constant 0 : i32
    %eq3A_0 = arith.cmpi eq, %arg0, %eq3A : i32
    %convert_element_type3A = arith.extui %eq3A_0 : i1 to i32
    %cond3A = arith.constant 0 : i32
    %cond3A_1 = arith.cmpi ne, %convert_element_type3A, %cond3A : i32
    scf.if %cond3A_1 {
      %broadcast_in_dim3A_82 = arith.constant 0.000000e+00 : f32
      %broadcast_in_dim3A_83 = vector.broadcast %broadcast_in_dim3A_82 : f32 to vector<1024x128xf32>
      %swap3A_84 = arith.constant 0 : index
      %swap3A_85 = arith.constant 0 : index
      %swap3A_86 = vector.load %arg7[%swap3A_84, %swap3A_85] : memref<1024x128xf32, #tpu.memory_space<vmem>>, vector<1024x128xf32>
      tpu.vector_store %arg7[%swap3A_84, %swap3A_85], %broadcast_in_dim3A_83 {strides = array<i32>} : memref<1024x128xf32, #tpu.memory_space<vmem>>, vector<1024x128xf32>,
      %broadcast_in_dim3A_87 = arith.constant 0.000000e+00 : f32
      %broadcast_in_dim3A_88 = vector.broadcast %broadcast_in_dim3A_87 : f32 to vector<1024x8xf32>
      %swap3A_89 = arith.constant 0 : index
      %swap3A_90 = arith.constant 0 : index
      %swap3A_91 = vector.load %arg8[%swap3A_89, %swap3A_90] : memref<1024x8xf32, #tpu.memory_space<vmem>>, vector<1024x8xf32>
      tpu.vector_store %arg8[%swap3A_89, %swap3A_90], %broadcast_in_dim3A_88 {strides = array<i32>} : memref<1024x8xf32, #tpu.memory_space<vmem>>, vector<1024x8xf32>,
    } else {
    }
    %get3A = arith.constant 0 : index
    %get3A_2 = arith.constant 0 : index
    %get3A_3 = vector.load %arg1[%get3A, %get3A_2] : memref<1024x1xi32, #tpu.memory_space<vmem>>, vector<1024x1xi32>
    %iota3A = tpu.iota {dimensions = array<i32: 1>} : vector<1024x1024xi32>
    %eq3A_4 = vector.broadcast %get3A_3 : vector<1024x1xi32> to vector<1024x1024xi32>
    %eq3A_5 = arith.cmpi eq, %eq3A_4, %iota3A : vector<1024x1024xi32>
    %convert_element_type3A_6 = arith.extui %eq3A_5 : vector<1024x1024xi1> to vector<1024x1024xi32>
    %convert_element_type3A_7 = arith.sitofp %convert_element_type3A_6 : vector<1024x1024xi32> to vector<1024x1024xf32>
    %get3A_8 = arith.constant 0 : index
    %get3A_9 = arith.constant 0 : index
    %get3A_10 = vector.load %arg4[%get3A_8, %get3A_9] : memref<1024x4xf32, #tpu.memory_space<vmem>>, vector<1024x4xf32>
    %get3A_11 = arith.constant 0 : index
    %get3A_12 = arith.constant 0 : index
    %get3A_13 = vector.load %arg5[%get3A_11, %get3A_12] : memref<4x128xf32, #tpu.memory_space<vmem>>, vector<4x128xf32>
    %dot_general3A = arith.constant dense<0.000000e+00> : vector<1024x128xf32>
    %dot_general3A_14 = tpu.matmul %get3A_10, %get3A_13, %dot_general3A {dimension_numbers = #tpu.dot_dimension_numbers<[1], [0], [0], [1], [0, 0, 1, 1], [], []>, transpose_lhs_hint = false} : vector<1024x4xf32>, vector<4x128xf32>, vector<1024x128xf32> -> vector<1024x128xf32>
    %convert_element_type3A_15 = arith.truncf %dot_general3A_14 : vector<1024x128xf32> to vector<1024x128xbf16>
    %convert_element_type3A_16 = arith.extf %convert_element_type3A_15 : vector<1024x128xbf16> to vector<1024x128xf32>
    %sub3A = arith.subf %dot_general3A_14, %convert_element_type3A_16 : vector<1024x128xf32>
    %dot_general3A_17 = arith.constant dense<0.000000e+00> : vector<1024x128xf32>
    %dot_general3A_18 = tpu.matmul %convert_element_type3A_7, %convert_element_type3A_16, %dot_general3A_17 {dimension_numbers = #tpu.dot_dimension_numbers<[1], [0], [0], [1], [0, 0, 1, 1], [], []>, transpose_lhs_hint = false} : vector<1024x1024xf32>, vector<1024x128xf32>, vector<1024x128xf32> -> vector<1024x128xf32>
    %dot_general3A_19 = arith.constant dense<0.000000e+00> : vector<1024x128xf32>
    %dot_general3A_20 = tpu.matmul %convert_element_type3A_7, %sub3A, %dot_general3A_19 {dimension_numbers = #tpu.dot_dimension_numbers<[1], [0], [0], [1], [0, 0, 1, 1], [], []>, transpose_lhs_hint = false} : vector<1024x1024xf32>, vector<1024x128xf32>, vector<1024x128xf32> -> vector<1024x128xf32>
    %add3A = arith.addf %dot_general3A_18, %dot_general3A_20 : vector<1024x128xf32>
    %get3A_21 = arith.constant 0 : index
    %get3A_22 = arith.constant 0 : index
    %get3A_23 = vector.load %arg3[%get3A_21, %get3A_22] : memref<1024x4xf32, #tpu.memory_space<vmem>>, vector<1024x4xf32>
    %get3A_24 = arith.constant 0 : index
    %get3A_25 = arith.constant 0 : index
    %get3A_26 = vector.load %arg5[%get3A_24, %get3A_25] : memref<4x128xf32, #tpu.memory_space<vmem>>, vector<4x128xf32>
    %dot_general3A_27 = arith.constant dense<0.000000e+00> : vector<1024x128xf32>
    %dot_general3A_28 = tpu.matmul %get3A_23, %get3A_26, %dot_general3A_27 {dimension_numbers = #tpu.dot_dimension_numbers<[1], [0], [0], [1], [0, 0, 1, 1], [], []>, transpose_lhs_hint = false} : vector<1024x4xf32>, vector<4x128xf32>, vector<1024x128xf32> -> vector<1024x128xf32>
    %get3A_29 = arith.constant 0 : index
    %get3A_30 = arith.constant 0 : index
    %get3A_31 = vector.load %arg2[%get3A_29, %get3A_30] : memref<1024x128xf32, #tpu.memory_space<vmem>>, vector<1024x128xf32>
    %sub3A_32 = arith.subf %add3A, %dot_general3A_28 : vector<1024x128xf32>
    %max3A = arith.constant 0.000000e+00 : f32
    %max3A_33 = vector.broadcast %max3A : f32 to vector<1024x128xf32>
    %max3A_34 = arith.maximumf %sub3A_32, %max3A_33 : vector<1024x128xf32>
    %add3A_35 = arith.addf %get3A_31, %max3A_34 : vector<1024x128xf32>
    %iota3A_36 = tpu.iota {dimensions = array<i32: 0>} : vector<1024x1xi32>
    %mul3A = arith.constant 1024 : i32
    %mul3A_37 = arith.muli %arg0, %mul3A : i32
    %add3A_38 = vector.broadcast %mul3A_37 : i32 to vector<1024x1xi32>
    %add3A_39 = arith.addi %add3A_38, %iota3A_36 : vector<1024x1xi32>
    %lt3A = arith.constant 10000 : i32
    %lt3A_40 = vector.broadcast %lt3A : i32 to vector<1024x1xi32>
    %lt3A_41 = arith.cmpi slt, %add3A_39, %lt3A_40 : vector<1024x1xi32>
    %get3A_42 = arith.constant 0 : index
    %get3A_43 = arith.constant 0 : index
    %get3A_44 = vector.load %arg7[%get3A_42, %get3A_43] : memref<1024x128xf32, #tpu.memory_space<vmem>>, vector<1024x128xf32>
    %jit3A = arith.constant 0.000000e+00 : f32
    %broadcast_in_dim3A = vector.shape_cast %lt3A_41 : vector<1024x1xi1> to vector<1024x1xi1>
    %broadcast_in_dim3A_45 = vector.broadcast %broadcast_in_dim3A : vector<1024x1xi1> to vector<1024x128xi1>
    %broadcast_in_dim3A_46 = vector.broadcast %jit3A : f32 to vector<1024x128xf32>
    %select_n3A = arith.select %broadcast_in_dim3A_45, %add3A_35, %broadcast_in_dim3A_46 : vector<1024x128xi1>, vector<1024x128xf32>
    %convert_element_type3A_47 = arith.truncf %select_n3A : vector<1024x128xf32> to vector<1024x128xbf16>
    %convert_element_type3A_48 = arith.extf %convert_element_type3A_47 : vector<1024x128xbf16> to vector<1024x128xf32>
    %sub3A_49 = arith.subf %select_n3A, %convert_element_type3A_48 : vector<1024x128xf32>
    %dot_general3A_50 = arith.constant dense<0.000000e+00> : vector<1024x128xf32>
    %dot_general3A_51 = tpu.matmul %convert_element_type3A_7, %convert_element_type3A_48, %dot_general3A_50 {dimension_numbers = #tpu.dot_dimension_numbers<[0], [0], [1], [1], [0, 1, 1, 1], [], []>, transpose_lhs_hint = false} : vector<1024x1024xf32>, vector<1024x128xf32>, vector<1024x128xf32> -> vector<1024x128xf32>
    %dot_general3A_52 = arith.constant dense<0.000000e+00> : vector<1024x128xf32>
    %dot_general3A_53 = tpu.matmul %convert_element_type3A_7, %sub3A_49, %dot_general3A_52 {dimension_numbers = #tpu.dot_dimension_numbers<[0], [0], [1], [1], [0, 1, 1, 1], [], []>, transpose_lhs_hint = false} : vector<1024x1024xf32>, vector<1024x128xf32>, vector<1024x128xf32> -> vector<1024x128xf32>
    %add3A_54 = arith.addf %dot_general3A_51, %dot_general3A_53 : vector<1024x128xf32>
    %add3A_55 = arith.addf %get3A_44, %add3A_54 : vector<1024x128xf32>
    %swap3A = arith.constant 0 : index
    %swap3A_56 = arith.constant 0 : index
    %swap3A_57 = vector.load %arg7[%swap3A, %swap3A_56] : memref<1024x128xf32, #tpu.memory_space<vmem>>, vector<1024x128xf32>
    tpu.vector_store %arg7[%swap3A, %swap3A_56], %add3A_55 {strides = array<i32>} : memref<1024x128xf32, #tpu.memory_space<vmem>>, vector<1024x128xf32>,
    %iota3A_58 = tpu.iota {dimensions = array<i32: 1>} : vector<1024x8xi32>
    %eq3A_59 = arith.constant 0 : i32
    %eq3A_60 = vector.broadcast %eq3A_59 : i32 to vector<1024x8xi32>
    %eq3A_61 = arith.cmpi eq, %iota3A_58, %eq3A_60 : vector<1024x8xi32>
    %and3A = vector.broadcast %lt3A_41 : vector<1024x1xi1> to vector<1024x8xi1>
    %and3A_62 = arith.andi %eq3A_61, %and3A : vector<1024x8xi1>
    %jit3A_63 = arith.constant 1.000000e+00 : f32
    %jit3A_64 = arith.constant 0.000000e+00 : f32
    %broadcast_in_dim3A_65 = vector.broadcast %jit3A_63 : f32 to vector<1024x8xf32>
    %broadcast_in_dim3A_66 = vector.broadcast %jit3A_64 : f32 to vector<1024x8xf32>
    %select_n3A_67 = arith.select %and3A_62, %broadcast_in_dim3A_65, %broadcast_in_dim3A_66 : vector<1024x8xi1>, vector<1024x8xf32>
    %get3A_68 = arith.constant 0 : index
    %get3A_69 = arith.constant 0 : index
    %get3A_70 = vector.load %arg8[%get3A_68, %get3A_69] : memref<1024x8xf32, #tpu.memory_space<vmem>>, vector<1024x8xf32>
    %dot_general3A_71 = arith.constant dense<0.000000e+00> : vector<1024x8xf32>
    %dot_general3A_72 = tpu.matmul %convert_element_type3A_7, %select_n3A_67, %dot_general3A_71 {dimension_numbers = #tpu.dot_dimension_numbers<[0], [0], [1], [1], [0, 1, 1, 1], [], []>, transpose_lhs_hint = false} : vector<1024x1024xf32>, vector<1024x8xf32>, vector<1024x8xf32> -> vector<1024x8xf32>
    %add3A_73 = arith.addf %get3A_70, %dot_general3A_72 : vector<1024x8xf32>
    %swap3A_74 = arith.constant 0 : index
    %swap3A_75 = arith.constant 0 : index
    %swap3A_76 = vector.load %arg8[%swap3A_74, %swap3A_75] : memref<1024x8xf32, #tpu.memory_space<vmem>>, vector<1024x8xf32>
    tpu.vector_store %arg8[%swap3A_74, %swap3A_75], %add3A_73 {strides = array<i32>} : memref<1024x8xf32, #tpu.memory_space<vmem>>, vector<1024x8xf32>,
    %eq3A_77 = arith.constant 9 : i32
    %eq3A_78 = arith.cmpi eq, %arg0, %eq3A_77 : i32
    %convert_element_type3A_79 = arith.extui %eq3A_78 : i1 to i32
    %cond3A_80 = arith.constant 0 : i32
    %cond3A_81 = arith.cmpi ne, %convert_element_type3A_79, %cond3A_80 : i32
    scf.if %cond3A_81 {
      %get3A_82 = arith.constant 0 : index
      %get3A_83 = arith.constant 0 : index
      %get3A_84 = vector.load %arg8[%get3A_82, %get3A_83] : memref<1024x8xf32, #tpu.memory_space<vmem>>, vector<1024x1xf32>
      %get3A_85 = arith.constant 0 : index
      %get3A_86 = arith.constant 0 : index
      %get3A_87 = vector.load %arg6[%get3A_85, %get3A_86] : memref<1024x128xf32, #tpu.memory_space<vmem>>, vector<1024x128xf32>
      %get3A_88 = arith.constant 0 : index
      %get3A_89 = arith.constant 0 : index
      %get3A_90 = vector.load %arg7[%get3A_88, %get3A_89] : memref<1024x128xf32, #tpu.memory_space<vmem>>, vector<1024x128xf32>
      %max3A_91 = arith.constant 1.000000e+00 : f32
      %max3A_92 = vector.broadcast %max3A_91 : f32 to vector<1024x1xf32>
      %max3A_93 = arith.maximumf %get3A_84, %max3A_92 : vector<1024x1xf32>
      %div3A = vector.broadcast %max3A_93 : vector<1024x1xf32> to vector<1024x128xf32>
      %div3A_94 = arith.divf %get3A_90, %div3A : vector<1024x128xf32>
      %add3A_95 = arith.addf %get3A_87, %div3A_94 : vector<1024x128xf32>
      %swap3A_96 = arith.constant 0 : index
      %swap3A_97 = arith.constant 0 : index
      %swap3A_98 = vector.load %arg9[%swap3A_96, %swap3A_97] : memref<1024x128xf32, #tpu.memory_space<vmem>>, vector<1024x128xf32>
      tpu.vector_store %arg9[%swap3A_96, %swap3A_97], %add3A_95 {strides = array<i32>} : memref<1024x128xf32, #tpu.memory_space<vmem>>, vector<1024x128xf32>,
    } else {
    }
    return
  }
  func.func @transform_0(%arg0: i32) -> (i32, i32) {
    %c0_i32 = arith.constant 0 : i32
    %c0_i32_0 = arith.constant 0 : i32
    return %arg0, %c0_i32 : i32, i32
  }
  func.func @transform_1(%arg0: i32) -> (i32, i32) {
    %c0_i32 = arith.constant 0 : i32
    %c0_i32_0 = arith.constant 0 : i32
    return %arg0, %c0_i32 : i32, i32
  }
  func.func @transform_2(%arg0: i32) -> (i32, i32) {
    %c0_i32 = arith.constant 0 : i32
    %c0_i32_0 = arith.constant 0 : i32
    return %arg0, %c0_i32 : i32, i32
  }
  func.func @transform_3(%arg0: i32) -> (i32, i32) {
    %c0_i32 = arith.constant 0 : i32
    %c0_i32_0 = arith.constant 0 : i32
    %c0_i32_1 = arith.constant 0 : i32
    return %c0_i32, %c0_i32_0 : i32, i32
  }
  func.func @transform_4(%arg0: i32) -> (i32, i32) {
    %c0_i32 = arith.constant 0 : i32
    %c0_i32_0 = arith.constant 0 : i32
    %c0_i32_1 = arith.constant 0 : i32
    return %c0_i32, %c0_i32_0 : i32, i32
  }
  func.func @transform_5(%arg0: i32) -> (i32, i32) {
    %c0_i32 = arith.constant 0 : i32
    %c0_i32_0 = arith.constant 0 : i32
    %c0_i32_1 = arith.constant 0 : i32
    return %c0_i32, %c0_i32_0 : i32, i32
  }
  func.func @transform_6(%arg0: i32) -> (i32, i32) {
    %c0_i32 = arith.constant 0 : i32
    %c0_i32_0 = arith.constant 0 : i32
    %c0_i32_1 = arith.constant 0 : i32
    return %c0_i32, %c0_i32_0 : i32, i32
  }
  func.func @transform_7(%arg0: i32) -> (i32, i32) {
    %c0_i32 = arith.constant 0 : i32
    %c0_i32_0 = arith.constant 0 : i32
    %c0_i32_1 = arith.constant 0 : i32
    return %c0_i32, %c0_i32_0 : i32, i32
  }
  func.func @transform_8(%arg0: i32) -> (i32, i32) {
    %c0_i32 = arith.constant 0 : i32
    %c0_i32_0 = arith.constant 0 : i32
    %c0_i32_1 = arith.constant 0 : i32
    return %c0_i32, %c0_i32_0 : i32, i32
  }
}

module attributes {stable_mosaic.version = 14 : i64} {
  func.func @_p56_body(%arg0: i32, %arg1: memref<1024x1024xf32, #tpu.memory_space<vmem>>, %arg2: memref<1024x1024xf32, #tpu.memory_space<vmem>>, %arg3: memref<1024x128xf32, #tpu.memory_space<vmem>>, %arg4: memref<1024x4xf32, #tpu.memory_space<vmem>>, %arg5: memref<4x128xf32, #tpu.memory_space<vmem>>, %arg6: memref<128x128xf32, #tpu.memory_space<vmem>>, %arg7: memref<128x128xf32, #tpu.memory_space<vmem>>, %arg8: memref<1024x1xi32, #tpu.memory_space<vmem>>, %arg9: memref<1024x128xf32, #tpu.memory_space<vmem>>, %arg10: memref<1024x4xf32, #tpu.memory_space<vmem>>, %arg11: memref<1024x128xf32, #tpu.memory_space<vmem>>, %arg12: memref<1024x128xf32, #tpu.memory_space<vmem>>, %arg13: memref<1024x128xf32, #tpu.memory_space<vmem>>, %arg14: memref<1024x128xf32, #tpu.memory_space<vmem>>) attributes {dimension_semantics = [#tpu.dimension_semantics<arbitrary>], iteration_bounds = array<i64: 11>, scalar_prefetch = 0 : i64, scratch_operands = 3 : i64, tpu.core_type = #tpu.core_type<tc>, window_params = [{pipeline_mode = #tpu.pipeline_mode<synchronous>, transform_indices = @transform_0, window_bounds = array<i64: 1024, 1024>}, {pipeline_mode = #tpu.pipeline_mode<synchronous>, transform_indices = @transform_1, window_bounds = array<i64: 1024, 1024>}, {pipeline_mode = #tpu.pipeline_mode<synchronous>, transform_indices = @transform_2, window_bounds = array<i64: 1024, 128>}, {pipeline_mode = #tpu.pipeline_mode<synchronous>, transform_indices = @transform_3, window_bounds = array<i64: 1024, 4>}, {pipeline_mode = #tpu.pipeline_mode<synchronous>, transform_indices = @transform_4, window_bounds = array<i64: 4, 128>}, {pipeline_mode = #tpu.pipeline_mode<synchronous>, transform_indices = @transform_5, window_bounds = array<i64: 128, 128>}, {pipeline_mode = #tpu.pipeline_mode<synchronous>, transform_indices = @transform_6, window_bounds = array<i64: 128, 128>}, {transform_indices = @transform_7, window_bounds = array<i64: 1024, 1>}, {transform_indices = @transform_8, window_bounds = array<i64: 1024, 128>}, {transform_indices = @transform_9, window_bounds = array<i64: 1024, 4>}, {transform_indices = @transform_10, window_bounds = array<i64: 1024, 128>}]} {
    %eq3A = arith.constant 0 : i32
    %eq3A_0 = arith.cmpi eq, %arg0, %eq3A : i32
    %convert_element_type3A = arith.extui %eq3A_0 : i1 to i32
    %cond3A = arith.constant 0 : i32
    %cond3A_1 = arith.cmpi ne, %convert_element_type3A, %cond3A : i32
    scf.if %cond3A_1 {
      %get3A = arith.constant 0 : index
      %get3A_6 = arith.constant 0 : index
      %get3A_7 = vector.load %arg3[%get3A, %get3A_6] : memref<1024x128xf32, #tpu.memory_space<vmem>>, vector<1024x128xf32>
      %get3A_8 = arith.constant 0 : index
      %get3A_9 = arith.constant 0 : index
      %get3A_10 = vector.load %arg1[%get3A_8, %get3A_9] : memref<1024x1024xf32, #tpu.memory_space<vmem>>, vector<1024x1024xf32>
      %get3A_11 = arith.constant 0 : index
      %get3A_12 = arith.constant 0 : index
      %get3A_13 = vector.load %arg2[%get3A_11, %get3A_12] : memref<1024x1024xf32, #tpu.memory_space<vmem>>, vector<1024x1024xf32>
      %add3A = arith.addf %get3A_10, %get3A_13 : vector<1024x1024xf32>
      %dot_general3A = arith.constant dense<0.000000e+00> : vector<1024x128xf32>
      %dot_general3A_14 = tpu.matmul %add3A, %get3A_7, %dot_general3A {dimension_numbers = #tpu.dot_dimension_numbers<[1], [0], [0], [1], [0, 0, 1, 1], [], []>, precision = #tpu.contract_precision<fp32>, transpose_lhs_hint = false} : vector<1024x1024xf32>, vector<1024x128xf32>, vector<1024x128xf32> -> vector<1024x128xf32>
      %get3A_15 = arith.constant 0 : index
      %get3A_16 = arith.constant 0 : index
      %get3A_17 = vector.load %arg4[%get3A_15, %get3A_16] : memref<1024x4xf32, #tpu.memory_space<vmem>>, vector<1024x4xf32>
      %get3A_18 = arith.constant 0 : index
      %get3A_19 = arith.constant 0 : index
      %get3A_20 = vector.load %arg5[%get3A_18, %get3A_19] : memref<4x128xf32, #tpu.memory_space<vmem>>, vector<4x128xf32>
      %dot_general3A_21 = arith.constant dense<0.000000e+00> : vector<1024x128xf32>
      %dot_general3A_22 = tpu.matmul %get3A_17, %get3A_20, %dot_general3A_21 {dimension_numbers = #tpu.dot_dimension_numbers<[1], [0], [0], [1], [0, 0, 1, 1], [], []>, transpose_lhs_hint = false} : vector<1024x4xf32>, vector<4x128xf32>, vector<1024x128xf32> -> vector<1024x128xf32>
      %swap3A = arith.constant 0 : index
      %swap3A_23 = arith.constant 0 : index
      %swap3A_24 = vector.load %arg13[%swap3A, %swap3A_23] : memref<1024x128xf32, #tpu.memory_space<vmem>>, vector<1024x128xf32>
      tpu.vector_store %arg13[%swap3A, %swap3A_23], %dot_general3A_22 {strides = array<i32>} : memref<1024x128xf32, #tpu.memory_space<vmem>>, vector<1024x128xf32>,
      %scan3A = arith.constant 0 : i32
      %scan3A_25 = arith.constant 128 : i32
      %scan3A_26 = arith.addi %scan3A, %scan3A_25 : i32
      %scan3A_27 = arith.constant 1 : i32
      scf.for %scan3A_44 = %scan3A to %scan3A_26 step %scan3A_27  : i32 {
        %mul3A = arith.constant 8 : i32
        %mul3A_45 = arith.muli %scan3A_44, %mul3A : i32
        %get3A_46 = arith.index_cast %mul3A_45 : i32 to index
        %get3A_47 = arith.constant 0 : index
        %get3A_48 = vector.load %arg13[%get3A_46, %get3A_47] : memref<1024x128xf32, #tpu.memory_space<vmem>>, vector<8x128xf32>
        %broadcast_in_dim3A = arith.constant 0.000000e+00 : f32
        %broadcast_in_dim3A_49 = vector.broadcast %broadcast_in_dim3A : f32 to vector<8x128xf32>
        %scan3A_50 = arith.constant 0 : i32
        %scan3A_51 = arith.constant 8 : i32
        %scan3A_52 = arith.addi %scan3A_50, %scan3A_51 : i32
        %scan3A_53 = arith.constant 1 : i32
        %scan3A_54 = scf.for %scan3A_61 = %scan3A_50 to %scan3A_52 step %scan3A_53 iter_args(%scan3A_62 = %broadcast_in_dim3A_49) -> (vector<8x128xf32>)  : i32 {
          %mul3A_63 = arith.constant 128 : i32
          %mul3A_64 = arith.muli %scan3A_61, %mul3A_63 : i32
          %get3A_65 = arith.index_cast %mul3A_64 : i32 to index
          %get3A_66 = arith.constant 0 : index
          %get3A_67 = vector.load %arg13[%get3A_65, %get3A_66] : memref<1024x128xf32, #tpu.memory_space<vmem>>, vector<128x128xf32>
          %mul3A_68 = arith.constant 8 : i32
          %mul3A_69 = arith.muli %scan3A_44, %mul3A_68 : i32
          %mul3A_70 = arith.constant 128 : i32
          %mul3A_71 = arith.muli %scan3A_61, %mul3A_70 : i32
          %get3A_72 = arith.index_cast %mul3A_69 : i32 to index
          %get3A_73 = arith.index_cast %mul3A_71 : i32 to index
          %get3A_74 = vector.load %arg1[%get3A_72, %get3A_73] : memref<1024x1024xf32, #tpu.memory_space<vmem>>, vector<8x128xf32>
          %mul3A_75 = arith.constant 8 : i32
          %mul3A_76 = arith.muli %scan3A_44, %mul3A_75 : i32
          %mul3A_77 = arith.constant 128 : i32
          %mul3A_78 = arith.muli %scan3A_61, %mul3A_77 : i32
          %get3A_79 = arith.index_cast %mul3A_76 : i32 to index
          %get3A_80 = arith.index_cast %mul3A_78 : i32 to index
          %get3A_81 = vector.load %arg2[%get3A_79, %get3A_80] : memref<1024x1024xf32, #tpu.memory_space<vmem>>, vector<8x128xf32>
          %add3A_82 = arith.addf %get3A_74, %get3A_81 : vector<8x128xf32>
          %iota3A = tpu.iota {dimensions = array<i32: 1>} : vector<8x128xi32>
          %mul3A_83 = arith.constant 128 : i32
          %mul3A_84 = arith.muli %scan3A_61, %mul3A_83 : i32
          %add3A_85 = vector.broadcast %mul3A_84 : i32 to vector<8x128xi32>
          %add3A_86 = arith.addi %iota3A, %add3A_85 : vector<8x128xi32>
          %lt3A = arith.constant 1000 : i32
          %lt3A_87 = vector.broadcast %lt3A : i32 to vector<8x128xi32>
          %lt3A_88 = arith.cmpi slt, %add3A_86, %lt3A_87 : vector<8x128xi32>
          %jit3A = arith.constant 0.000000e+00 : f32
          %broadcast_in_dim3A_89 = vector.broadcast %jit3A : f32 to vector<8x128xf32>
          %select_n3A = arith.select %lt3A_88, %add3A_82, %broadcast_in_dim3A_89 : vector<8x128xi1>, vector<8x128xf32>
          %broadcast_in_dim3A_90 = vector.shape_cast %get3A_67 : vector<128x128xf32> to vector<1x128x128xf32>
          %broadcast_in_dim3A_91 = vector.shape_cast %get3A_48 : vector<8x128xf32> to vector<8x1x128xf32>
          %sub3A = vector.broadcast %broadcast_in_dim3A_90 : vector<1x128x128xf32> to vector<8x128x128xf32>
          %sub3A_92 = vector.broadcast %broadcast_in_dim3A_91 : vector<8x1x128xf32> to vector<8x128x128xf32>
          %sub3A_93 = arith.subf %sub3A, %sub3A_92 : vector<8x128x128xf32>
          %max3A_94 = arith.constant 0.000000e+00 : f32
          %max3A_95 = vector.broadcast %max3A_94 : f32 to vector<8x128x128xf32>
          %max3A_96 = arith.maximumf %sub3A_93, %max3A_95 : vector<8x128x128xf32>
          %broadcast_in_dim3A_97 = vector.shape_cast %select_n3A : vector<8x128xf32> to vector<8x128x1xf32>
          %mul3A_98 = vector.broadcast %broadcast_in_dim3A_97 : vector<8x128x1xf32> to vector<8x128x128xf32>
          %mul3A_99 = arith.mulf %max3A_96, %mul3A_98 : vector<8x128x128xf32>
          %reduce_sum3A = arith.constant dense<0.000000e+00> : vector<8x128xf32>
          %reduce_sum3A_100 = vector.multi_reduction <add>, %mul3A_99, %reduce_sum3A [1] : vector<8x128x128xf32> to vector<8x128xf32>
          %add3A_101 = arith.addf %scan3A_62, %reduce_sum3A_100 : vector<8x128xf32>
          scf.yield %add3A_101 : vector<8x128xf32>
        }
        %scan3A_55 = arith.constant 8 : i32
        %mul3A_56 = arith.constant 8 : i32
        %mul3A_57 = arith.muli %scan3A_44, %mul3A_56 : i32
        %swap3A_58 = arith.index_cast %mul3A_57 : i32 to index
        %swap3A_59 = arith.constant 0 : index
        %swap3A_60 = vector.load %arg12[%swap3A_58, %swap3A_59] : memref<1024x128xf32, #tpu.memory_space<vmem>>, vector<8x128xf32>
        tpu.vector_store %arg12[%swap3A_58, %swap3A_59], %scan3A_54 {strides = array<i32>} : memref<1024x128xf32, #tpu.memory_space<vmem>>, vector<8x128xf32>,
      }
      %scan3A_28 = arith.constant 128 : i32
      %add3A_29 = arith.addf %get3A_7, %dot_general3A_14 : vector<1024x128xf32>
      %get3A_30 = arith.constant 0 : index
      %get3A_31 = arith.constant 0 : index
      %get3A_32 = vector.load %arg12[%get3A_30, %get3A_31] : memref<1024x128xf32, #tpu.memory_space<vmem>>, vector<1024x128xf32>
      %add3A_33 = arith.addf %add3A_29, %get3A_32 : vector<1024x128xf32>
      %get3A_34 = arith.constant 0 : index
      %get3A_35 = arith.constant 0 : index
      %get3A_36 = vector.load %arg6[%get3A_34, %get3A_35] : memref<128x128xf32, #tpu.memory_space<vmem>>, vector<128x128xf32>
      %dot_general3A_37 = arith.constant dense<0.000000e+00> : vector<1024x128xf32>
      %dot_general3A_38 = tpu.matmul %add3A_33, %get3A_36, %dot_general3A_37 {dimension_numbers = #tpu.dot_dimension_numbers<[1], [0], [0], [1], [0, 0, 1, 1], [], []>, transpose_lhs_hint = false} : vector<1024x128xf32>, vector<128x128xf32>, vector<1024x128xf32> -> vector<1024x128xf32>
      %max3A = arith.constant 0.000000e+00 : f32
      %max3A_39 = vector.broadcast %max3A : f32 to vector<1024x128xf32>
      %max3A_40 = arith.maximumf %dot_general3A_38, %max3A_39 : vector<1024x128xf32>
      %swap3A_41 = arith.constant 0 : index
      %swap3A_42 = arith.constant 0 : index
      %swap3A_43 = vector.load %arg14[%swap3A_41, %swap3A_42] : memref<1024x128xf32, #tpu.memory_space<vmem>>, vector<1024x128xf32>
      tpu.vector_store %arg14[%swap3A_41, %swap3A_42], %max3A_40 {strides = array<i32>} : memref<1024x128xf32, #tpu.memory_space<vmem>>, vector<1024x128xf32>,
    } else {
    }
    %gt3A = arith.constant 0 : i32
    %gt3A_2 = arith.cmpi sgt, %arg0, %gt3A : i32
    %convert_element_type3A_3 = arith.extui %gt3A_2 : i1 to i32
    %cond3A_4 = arith.constant 0 : i32
    %cond3A_5 = arith.cmpi ne, %convert_element_type3A_3, %cond3A_4 : i32
    scf.if %cond3A_5 {
      %get3A = arith.constant 0 : index
      %get3A_6 = arith.constant 0 : index
      %get3A_7 = vector.load %arg8[%get3A, %get3A_6] : memref<1024x1xi32, #tpu.memory_space<vmem>>, vector<1024x1xi32>
      %iota3A = tpu.iota {dimensions = array<i32: 1>} : vector<1024x1024xi32>
      %eq3A_8 = vector.broadcast %get3A_7 : vector<1024x1xi32> to vector<1024x1024xi32>
      %eq3A_9 = arith.cmpi eq, %eq3A_8, %iota3A : vector<1024x1024xi32>
      %convert_element_type3A_10 = arith.extui %eq3A_9 : vector<1024x1024xi1> to vector<1024x1024xi32>
      %convert_element_type3A_11 = arith.sitofp %convert_element_type3A_10 : vector<1024x1024xi32> to vector<1024x1024xf32>
      %get3A_12 = arith.constant 0 : index
      %get3A_13 = arith.constant 0 : index
      %get3A_14 = vector.load %arg14[%get3A_12, %get3A_13] : memref<1024x128xf32, #tpu.memory_space<vmem>>, vector<1024x128xf32>
      %get3A_15 = arith.constant 0 : index
      %get3A_16 = arith.constant 0 : index
      %get3A_17 = vector.load %arg13[%get3A_15, %get3A_16] : memref<1024x128xf32, #tpu.memory_space<vmem>>, vector<1024x128xf32>
      %concatenate3A = tpu.concatenate %get3A_14, %get3A_17 in 1 : vector<1024x128xf32>, vector<1024x128xf32> -> vector<1024x256xf32>
      %convert_element_type3A_18 = arith.truncf %concatenate3A : vector<1024x256xf32> to vector<1024x256xbf16>
      %convert_element_type3A_19 = arith.extf %convert_element_type3A_18 : vector<1024x256xbf16> to vector<1024x256xf32>
      %sub3A = arith.subf %concatenate3A, %convert_element_type3A_19 : vector<1024x256xf32>
      %dot_general3A = arith.constant dense<0.000000e+00> : vector<1024x256xf32>
      %dot_general3A_20 = tpu.matmul %convert_element_type3A_11, %convert_element_type3A_19, %dot_general3A {dimension_numbers = #tpu.dot_dimension_numbers<[1], [0], [0], [1], [0, 0, 1, 1], [], []>, transpose_lhs_hint = false} : vector<1024x1024xf32>, vector<1024x256xf32>, vector<1024x256xf32> -> vector<1024x256xf32>
      %dot_general3A_21 = arith.constant dense<0.000000e+00> : vector<1024x256xf32>
      %dot_general3A_22 = tpu.matmul %convert_element_type3A_11, %sub3A, %dot_general3A_21 {dimension_numbers = #tpu.dot_dimension_numbers<[1], [0], [0], [1], [0, 0, 1, 1], [], []>, transpose_lhs_hint = false} : vector<1024x1024xf32>, vector<1024x256xf32>, vector<1024x256xf32> -> vector<1024x256xf32>
      %add3A = arith.addf %dot_general3A_20, %dot_general3A_22 : vector<1024x256xf32>
      %get3A_23 = arith.constant 0 : index
      %get3A_24 = arith.constant 0 : index
      %get3A_25 = vector.load %arg10[%get3A_23, %get3A_24] : memref<1024x4xf32, #tpu.memory_space<vmem>>, vector<1024x4xf32>
      %get3A_26 = arith.constant 0 : index
      %get3A_27 = arith.constant 0 : index
      %get3A_28 = vector.load %arg5[%get3A_26, %get3A_27] : memref<4x128xf32, #tpu.memory_space<vmem>>, vector<4x128xf32>
      %dot_general3A_29 = arith.constant dense<0.000000e+00> : vector<1024x128xf32>
      %dot_general3A_30 = tpu.matmul %get3A_25, %get3A_28, %dot_general3A_29 {dimension_numbers = #tpu.dot_dimension_numbers<[1], [0], [0], [1], [0, 0, 1, 1], [], []>, transpose_lhs_hint = false} : vector<1024x4xf32>, vector<4x128xf32>, vector<1024x128xf32> -> vector<1024x128xf32>
      %slice3A = vector.extract_strided_slice %add3A {offsets = [0, 0], sizes = [1024, 128], strides = [1, 1]} : vector<1024x256xf32> to vector<1024x128xf32>
      %slice3A_31 = vector.extract_strided_slice %add3A {offsets = [0, 128], sizes = [1024, 128], strides = [1, 1]} : vector<1024x256xf32> to vector<1024x128xf32>
      %sub3A_32 = arith.subf %dot_general3A_30, %slice3A_31 : vector<1024x128xf32>
      %max3A = arith.constant 0.000000e+00 : f32
      %max3A_33 = vector.broadcast %max3A : f32 to vector<1024x128xf32>
      %max3A_34 = arith.maximumf %sub3A_32, %max3A_33 : vector<1024x128xf32>
      %add3A_35 = arith.addf %slice3A, %max3A_34 : vector<1024x128xf32>
      %get3A_36 = arith.constant 0 : index
      %get3A_37 = arith.constant 0 : index
      %get3A_38 = vector.load %arg7[%get3A_36, %get3A_37] : memref<128x128xf32, #tpu.memory_space<vmem>>, vector<128x128xf32>
      %dot_general3A_39 = arith.constant dense<0.000000e+00> : vector<1024x128xf32>
      %dot_general3A_40 = tpu.matmul %add3A_35, %get3A_38, %dot_general3A_39 {dimension_numbers = #tpu.dot_dimension_numbers<[1], [0], [0], [1], [0, 0, 1, 1], [], []>, transpose_lhs_hint = false} : vector<1024x128xf32>, vector<128x128xf32>, vector<1024x128xf32> -> vector<1024x128xf32>
      %max3A_41 = arith.constant 0.000000e+00 : f32
      %max3A_42 = vector.broadcast %max3A_41 : f32 to vector<1024x128xf32>
      %max3A_43 = arith.maximumf %dot_general3A_40, %max3A_42 : vector<1024x128xf32>
      %get3A_44 = arith.constant 0 : index
      %get3A_45 = arith.constant 0 : index
      %get3A_46 = vector.load %arg9[%get3A_44, %get3A_45] : memref<1024x128xf32, #tpu.memory_space<vmem>>, vector<1024x128xf32>
      %add3A_47 = arith.addf %get3A_46, %max3A_43 : vector<1024x128xf32>
      %swap3A = arith.constant 0 : index
      %swap3A_48 = arith.constant 0 : index
      %swap3A_49 = vector.load %arg11[%swap3A, %swap3A_48] : memref<1024x128xf32, #tpu.memory_space<vmem>>, vector<1024x128xf32>
      tpu.vector_store %arg11[%swap3A, %swap3A_48], %add3A_47 {strides = array<i32>} : memref<1024x128xf32, #tpu.memory_space<vmem>>, vector<1024x128xf32>,
    } else {
    }
    return
  }
  func.func @transform_0(%arg0: i32) -> (i32, i32) {
    %c0_i32 = arith.constant 0 : i32
    %c0_i32_0 = arith.constant 0 : i32
    %c0_i32_1 = arith.constant 0 : i32
    return %c0_i32, %c0_i32_0 : i32, i32
  }
  func.func @transform_1(%arg0: i32) -> (i32, i32) {
    %c0_i32 = arith.constant 0 : i32
    %c0_i32_0 = arith.constant 0 : i32
    %c0_i32_1 = arith.constant 0 : i32
    return %c0_i32, %c0_i32_0 : i32, i32
  }
  func.func @transform_2(%arg0: i32) -> (i32, i32) {
    %c0_i32 = arith.constant 0 : i32
    %c0_i32_0 = arith.constant 0 : i32
    %c0_i32_1 = arith.constant 0 : i32
    return %c0_i32, %c0_i32_0 : i32, i32
  }
  func.func @transform_3(%arg0: i32) -> (i32, i32) {
    %c0_i32 = arith.constant 0 : i32
    %c0_i32_0 = arith.constant 0 : i32
    %c0_i32_1 = arith.constant 0 : i32
    return %c0_i32, %c0_i32_0 : i32, i32
  }
  func.func @transform_4(%arg0: i32) -> (i32, i32) {
    %c0_i32 = arith.constant 0 : i32
    %c0_i32_0 = arith.constant 0 : i32
    %c0_i32_1 = arith.constant 0 : i32
    return %c0_i32, %c0_i32_0 : i32, i32
  }
  func.func @transform_5(%arg0: i32) -> (i32, i32) {
    %c0_i32 = arith.constant 0 : i32
    %c0_i32_0 = arith.constant 0 : i32
    %c0_i32_1 = arith.constant 0 : i32
    return %c0_i32, %c0_i32_0 : i32, i32
  }
  func.func @transform_6(%arg0: i32) -> (i32, i32) {
    %c0_i32 = arith.constant 0 : i32
    %c0_i32_0 = arith.constant 0 : i32
    %c0_i32_1 = arith.constant 0 : i32
    return %c0_i32, %c0_i32_0 : i32, i32
  }
  func.func @transform_7(%arg0: i32) -> (i32, i32) {
    %sub3A = arith.constant 1 : i32
    %sub3A_0 = arith.subi %arg0, %sub3A : i32
    %max3A = arith.constant 0 : i32
    %max3A_1 = arith.maxsi %sub3A_0, %max3A : i32
    %c0_i32 = arith.constant 0 : i32
    %c0_i32_2 = arith.constant 0 : i32
    return %max3A_1, %c0_i32 : i32, i32
  }
  func.func @transform_8(%arg0: i32) -> (i32, i32) {
    %sub3A = arith.constant 1 : i32
    %sub3A_0 = arith.subi %arg0, %sub3A : i32
    %max3A = arith.constant 0 : i32
    %max3A_1 = arith.maxsi %sub3A_0, %max3A : i32
    %c0_i32 = arith.constant 0 : i32
    %c0_i32_2 = arith.constant 0 : i32
    return %max3A_1, %c0_i32 : i32, i32
  }
  func.func @transform_9(%arg0: i32) -> (i32, i32) {
    %sub3A = arith.constant 1 : i32
    %sub3A_0 = arith.subi %arg0, %sub3A : i32
    %max3A = arith.constant 0 : i32
    %max3A_1 = arith.maxsi %sub3A_0, %max3A : i32
    %c0_i32 = arith.constant 0 : i32
    %c0_i32_2 = arith.constant 0 : i32
    return %max3A_1, %c0_i32 : i32, i32
  }
  func.func @transform_10(%arg0: i32) -> (i32, i32) {
    %sub3A = arith.constant 1 : i32
    %sub3A_0 = arith.subi %arg0, %sub3A : i32
    %max3A = arith.constant 0 : i32
    %max3A_1 = arith.maxsi %sub3A_0, %max3A : i32
    %c0_i32 = arith.constant 0 : i32
    %c0_i32_2 = arith.constant 0 : i32
    return %max3A_1, %c0_i32 : i32, i32
  }
}

</mosaic_0001>

<sc_bundles>
// kernel: kernel.8.cloned.1.call-start
scs
__scs_entry_jumppad:
0x0: {  	(pc) =	sbr.rel $0x88, $3  }
0x1: {  	(tag) =	ssettag $0x0;
	lr =	simm.s32 $0x1  }
0x2: {  	[smem:$0x3F9A] =	sst lr;
	_ =	strace $0xD0000000  }
0x3: {  	_ = 	snop  }
0x4: {  	_ = 	snop  }
0x5: {  	_ = 	snop  }
0x6: {  	_ = 	snop  }
0x7: {  	_ = 	snop  }
__scs_overlays_trampoline_lowered:
0x8: {  	[smem:$0x3FA9] =	sst s0  }
0x9: {  	[smem:$0x3FAA] =	sst s1  }
0xa: {  	[smem:$0x3FAB] =	sst s2  }
0xb: {  	[smem:$0x3FAC] =	sst s3  }
0xc: {  	[smem:$0x3FAD] =	sst s4  }
0xd: {  	[smem:$0x3FAE] =	sst s5  }
0xe: {  	[smem:$0x3FAF] =	sst s6  }
0xf: {  	[smem:$0x3FB0] =	sst s7  }
0x10: {  	[smem:$0x3FB1] =	sst s8  }
0x11: {  	[smem:$0x3FB2] =	sst s9;
	s0 =	simm.s32 @!p0 $0x0  }
0x12: {  	s1 =	sld [smem:$0x3F98];
	s0 =	simm.s32 @p0 $0x1  }
0x13: {  	[smem:$0x3FB3] =	sst s0;
	s0 =	simm.s32 @!p1 $0x0  }
0x14: {  	s2 =	sld [smem:$0x3F97];
	s0 =	simm.s32 @p1 $0x1  }
0x15: {  	[smem:$0x3FB4] =	sst s0;
	s0 =	simm.s32 @!p2 $0x0  }
0x16: {  	s3 =	sld [smem:$0x3FDB];
	s0 =	simm.s32 @p2 $0x1  }
0x17: {  	s4 =	simm.s32 $0x1BF5;
	[smem:$0x3FB6] =	sst s0  }
0x18: {  	s0 =	sld [smem:$0x3F99];
	_ =	swait.ge [sflag:s4], $0x0  }
0x19: {  	s7 =	sld [smem:$0x3F9A]  }
0x1a: {  	s8 =	sadd.s32 $0xFFFFE003, lr  }
0x1b: {  	s9 =	sadd.s32 $0xFFFFFEF7, lr;
	s5 =	simm.s32 $0xFFFFFFFF;
	p2 =	slt.u32 s8, $0xFFFFF086  }
0x1c: {  	p1 =	slt.u32 s9, $0xF7A;
	s5 =	simm.s32 @!p2 $0x0  }
0x1d: {  	s5 =	simm.s32 @p1 $0x1;
	p0 =	seq.s32 s7, s2  }
0x1e: {  	s7 =	smul.u32 @!p0 $0xF7A, s2;
	p2 =	seq.s32 @!p0 s5, $0x0  }
0x1f: {  	s9 =	smul.u32 $0xF7A, s1;
	s8 =	simm.s32 @!p0 $0x1BF5;
	p2 =	por !p2, p0  }
0x20: {  	[sflag:s8] =	ssyncset.s32 @!p0 $0xFFFFF086;
	s6 =	sadd.s32 @!p0 s3, s7;
	s7 =	simm.s32 @!p0 $0x108  }
0x21: {  	s3 =	sadd.s32 s3, s9;
	s6 =	sadd.s32 @!p0 $0x88, s6;
	s7 =	simm.s32 @p2 $0x1082  }
0x22: {  	[simem:s7], [sflag:s8] =	dma.local @!p0 [hbm:s6], $0xF7A  }
0x23: {  	s9 =	sor.u32 $0xD0000000, s2;
	s6 =	simm.s32 $0x108;
	_ =	swait.ge @!p0 [sflag:s8], $0x0  }
0x24: {  	s3 =	sadd.s32 $0x88, s3;
	s6 =	simm.s32 @!p1 $0x1082;
	[sflag:s4] =	ssyncset.s32 $0xFFFFF086  }
0x25: {  	[simem:s6], [sflag:s4] =	dma.local [hbm:s3], $0xF7A  }
0x26: {  	[smem:$0x3F9A] =	sst s1;
	(tag) =	ssettag s2;
	_ =	strace s9  }
0x27: {  	s1 =	sld [smem:$0x3FAA]  }
0x28: {  	s2 =	sld [smem:$0x3FAB]  }
0x29: {  	s4 =	sld [smem:$0x3FAD]  }
0x2a: {  	p0 =	seq.s32 s5, $0x0;
	s5 =	sld [smem:$0x3FAE]  }
0x2b: {  	s6 =	sld [smem:$0x3FAF]  }
0x2c: {  	s7 =	sld [smem:$0x3FB0]  }
0x2d: {  	s3 =	simm.s32 $0x108;
	s8 =	sld [smem:$0x3FB1]  }
0x2e: {  	s3 =	simm.s32 @!p0 $0x1082;
	s9 =	sld [smem:$0x3FB2]  }
0x2f: {  	lr =	sadd.s32 s0, s3;
	s0 =	sld [smem:$0x3FA9]  }
0x30: {  	s3 =	sld [smem:$0x3FAC]  }
0x31: {  	[smem:$0x3FB5] =	sst s10  }
0x32: {  	s10 =	sld [smem:$0x3FB3];
	_ =	sdelay $0x3  }
0x33: {  	p0 =	seq.s32 s10, $0x1;
	s10 =	sld [smem:$0x3FB5];
	_ =	sdelay $0x3  }
0x34: {  	[smem:$0x3FB5] =	sst s10  }
0x35: {  	s10 =	sld [smem:$0x3FB4];
	_ =	sdelay $0x3  }
0x36: {  	p1 =	seq.s32 s10, $0x1;
	s10 =	sld [smem:$0x3FB5];
	_ =	sdelay $0x3  }
0x37: {  	[smem:$0x3FB5] =	sst s10  }
0x38: {  	s10 =	sld [smem:$0x3FB6]  }
0x39: {  	_ = 	snop;
	(pc) =	sbr.ind lr, $3  }
0x3a: {  	_ = 	snop  }
0x3b: {  	_ = 	snop  }
0x3c: {  	p2 =	seq.s32 s10, $0x1;
	s10 =	sld [smem:$0x3FB5]  }
0x3d: {  	_ =	shalt  }
0x3e: {  	_ =	shalt  }
0x3f: {  	_ =	shalt  }
0x40: {  	_ =	shalt  }
0x41: {  	_ =	shalt  }
0x42: {  	_ =	shalt  }
0x43: {  	_ =	shalt  }
0x44: {  	_ =	shalt  }
0x45: {  	_ =	shalt  }
0x46: {  	_ =	shalt  }
0x47: {  	_ =	shalt  }
0x48: {  	_ =	shalt  }
0x49: {  	_ =	shalt  }
0x4a: {  	_ =	shalt  }
0x4b: {  	_ =	shalt  }
0x4c: {  	_ =	shalt  }
0x4d: {  	_ =	shalt  }
0x4e: {  	_ =	shalt  }
0x4f: {  	_ =	shalt  }
0x50: {  	_ =	shalt  }
0x51: {  	_ =	shalt  }
0x52: {  	_ =	shalt  }
0x53: {  	_ =	shalt  }
0x54: {  	_ =	shalt  }
0x55: {  	_ =	shalt  }
0x56: {  	_ =	shalt  }
0x57: {  	_ =	shalt  }
0x58: {  	_ =	shalt  }
0x59: {  	_ =	shalt  }
0x5a: {  	_ =	shalt  }
0x5b: {  	_ =	shalt  }
0x5c: {  	_ =	shalt  }
0x5d: {  	_ =	shalt  }
0x5e: {  	_ =	shalt  }
0x5f: {  	_ =	shalt  }
0x60: {  	_ =	shalt  }
0x61: {  	_ =	shalt  }
0x62: {  	_ =	shalt  }
0x63: {  	_ =	shalt  }
0x64: {  	_ =	shalt  }
0x65: {  	_ =	shalt  }
0x66: {  	_ =	shalt  }
0x67: {  	_ =	shalt  }
0x68: {  	_ =	shalt  }
0x69: {  	_ =	shalt  }
0x6a: {  	_ =	shalt  }
0x6b: {  	_ =	shalt  }
0x6c: {  	_ =	shalt  }
0x6d: {  	_ =	shalt  }
0x6e: {  	_ =	shalt  }
0x6f: {  	_ =	shalt  }
0x70: {  	_ =	shalt  }
0x71: {  	_ =	shalt  }
0x72: {  	_ =	shalt  }
0x73: {  	_ =	shalt  }
0x74: {  	_ =	shalt  }
0x75: {  	_ =	shalt  }
0x76: {  	_ =	shalt  }
0x77: {  	_ =	shalt  }
0x78: {  	_ =	shalt  }
0x79: {  	_ =	shalt  }
0x7a: {  	_ =	shalt  }
0x7b: {  	_ =	shalt  }
0x7c: {  	_ =	shalt  }
0x7d: {  	_ =	shalt  }
0x7e: {  	_ =	shalt  }
0x7f: {  	_ =	shalt  }
0x80: {  	_ =	shalt  }
0x81: {  	_ =	shalt  }
0x82: {  	_ =	shalt  }
0x83: {  	_ =	shalt  }
0x84: {  	_ =	shalt  }
0x85: {  	_ =	shalt  }
0x86: {  	_ =	shalt  }
0x87: {  	_ =	shalt  }
.Lfunc_end0:
.L_simem_size_0:
called_computation_lowered:
.L_overlay_start_0:
0x88: {  	s2 =	sld [smem:$0x3FD9]  }
0x89: {  	s3 =	sld [smem:$0x3FFE];
	_ =	sdelay $0x1  }
0x8a: {  	s1 =	srdreg.scid  }
0x8b: {  	s0 =	sand.u32 $0x1, s1  }
0x8c: {  	s14 =	sshll.u32 s0, $0xA;
	s2 =	sadd.s32 s3, s2  }
0x8d: {  	s2 =	sadd.s32 s2, s14  }
0x8e: {  	[smem:$0x3FC1] =	sst s2  }
0x8f: {  	_ = 	snop  }
0x90: {  	s2 =	sld [smem:$0x3FD0];
	_ =	sdelay $0x2  }
0x91: {  	s15 =	simm.s32 $0xA;
	s4 =	simm.s32 $0x10  }
0x92: {  	[smem:s4], [sflag:s15] =	dma.local [hbm:s2], $0x1  }
0x93: {  	_ =	swait.eq [sflag:s15], $0x1  }
0x94: {  	[sflag:s15] =	ssyncset.done $0x0  }
0x95: {  	[sflag:s15] =	ssyncadd.s32 $0xFFFFFFFF  }
0x96: {  	s16 =	sld [smem:$0x10];
	(tm) =	ssettm $0x1  }
0x97: {  	s17 =	sld [smem:$0x3FFB];
	_ =	sdelay $0x3  }
0x98: {  	_ =	strace s17  }
0x99: {  	s3 =	sld [smem:$0x3FFC];
	_ =	sdelay $0x3  }
0x9a: {  	_ =	strace s3  }
0x9b: {  	s3 =	sld [smem:$0x3FFD];
	_ =	sdelay $0x3  }
0x9c: {  	_ =	strace s3  }
0x9d: {  	_ =	strace $0x8FFFFFFF  }
0x9e: {  	s18 =	sld [smem:$0x3FDB];
	_ =	sdelay $0x1  }
0x9f: {  	s19 =	simm.s32 $_scs_section_size  }
0xa0: {  	s5 =	simm.s32 $_size__tile_overlayer_lowered;
	s6 =	simm.s32 $_tile_overlayer_lowered  }
0xa1: {  	s22 =	simm.s32 $0x1BFF;
	s21 =	sshll.u32 s6, $0x1;
	s3 =	sadd.s32 s19, s18  }
0xa2: {  	s7 =	simm.s32 $0x0;
	s20 =	sshll.u32 s5, $0x1;
	s5 =	sadd.s32 s21, s3  }
0xa3: {  	[timem:s7], [sflag:s22] =	dma.local [hbm:s5], s20  }
0xa4: {  	_ =	swait.ge [sflag:s22], s20  }
0xa5: {  	s4 =	ssub.s32 $0x0, s20;
	[sflag:s22] =	ssyncset.done $0x0  }
0xa6: {  	[sflag:s22] =	ssyncadd.s32 s4;
	_ =	sdelay $0x1  }
0xa7: {  	s23 =	simm.s32 $0x1B8B  }
0xa8: {  	_ =	swait.ge [sflag:s23], $0x1  }
0xa9: {  	[sflag:s23] =	ssyncset.done $0x0  }
0xaa: {  	s25 =	simm.s32 $0x1B8E;
	s24 =	sld [smem:$0x3FFE];
	[sflag:s23] =	ssyncadd.s32 $0xFFFFFFFF  }
0xab: {  	s26 =	simm.s32 $execute0_lowered;
	[smem:$0x3FD2] =	sst s25  }
0xac: {  	s5 =	sshll.u32 s26, $0x1;
	_ =	strace $0x80000046;
	[dreg:$0x1] =	wrdreg $0xFFFFFFFF  }
0xad: {  	s28 =	simm.s32 $_size_execute0_lowered;
	s3 =	sadd.s32 s3, s5;
	[dreg:$0x0] =	wrdreg $0x0  }
0xae: {  	s5 =	sshll.u32 s28, $0x1;
	[dreg:$0x2] =	wrdreg s3  }
0xaf: {  	[dreg:$0x3] =	wrdreg s5  }
0xb0: {  	[dreg:$0x4] =	wrdreg $0xC0  }
0xb1: {  	_ =	task [dreg:s7], $0x5FFFF  }
0xb2: {  	[dreg:$0x1] =	wrdreg $0xFFFFFFFF  }
0xb3: {  	[dreg:$0x0] =	wrdreg $0x60  }
0xb4: {  	[dreg:$0x2] =	wrdreg s24  }
0xb5: {  	[dreg:$0x3] =	wrdreg s16  }
0xb6: {  	[dreg:$0x4] =	wrdreg $0xE7000  }
0xb7: {  	[dreg:$0x5] =	wrdreg $0x9  }
0xb8: {  	_ =	task.clear_ibuf [dreg:s7], $0x6FFFF;
	_ =	strace $0x90000046  }
0xb9: {  	s29 =	simm.s32 $0x9;
	_ =	strace $0x80000048  }
0xba: {  	_ =	swait.ge [sflag:s29], $0x1  }
0xbb: {  	[sflag:s29] =	ssyncadd.s32 $0xFFFFFFFF  }
0xbc: {  	_ =	strace $0x90000048  }
0xbd: {  	_ =	sfence  }
0xbe: {  	s30 =	sld [smem:$0x0];
	_ =	sdelay $0x2  }
0xbf: {  	s31 =	sshll.u32 s1, $0xD;
	s1 =	sshrl.u32 s1, $0x2  }
0xc0: {  	s3 =	sand.u32 $0x4000, s31;
	s1 =	sadd.s32 s1, s30  }
0xc1: {  	s0 =	sor.u32 s3, s0;
	s1 =	sshll.u32 s1, $0x11  }
0xc2: {  	s0 =	sor.u32 s1, s0  }
0xc3: {  	s0 =	sadd.s32 $0x8F2B, s0  }
0xc4: {  	[sflag:s0] =	ssyncadd.remote.s32 $0x1  }
0xc5: {  	_ =	sfence.sel $0xFFFF  }
0xc6: {  	[dreg:$0x0] =	wrdreg $0xFFFFFFFF;
	(pc) =	sbr.abs _section_cstart, $3  }
0xc7: {  	[dreg:$0x1] =	wrdreg $0xFFFFFFFF  }
0xc8: {  	_ =	task.clear_ibuf [dreg:s7], $0x2FFFF;
	_ =	strace $0x9FFFFFFF  }
0xc9: {  	(tm) =	ssettm $0x7FFFFFFF  }
tec
execute0_lowered:
.L_overlay_start_1:
0x0: {  	(tag) =	ssettag $0x1  }
0x1: {  	s1 =	rddreg [dreg:$0x0]  }
0x2: {  	s0 =	srdreg.scid;
	s2 =	rddreg [dreg:$0x1]  }
0x3: {  	s9 =	stileid.u32;
	s25 =	rddreg [dreg:$0x2]  }
0x4: {  	s0 =	sand.u32 $0x1, s0;
	s7 =	sadd.s32 $0x5AA00, s1;
	s8 =	sshll.u32 s9, $0x10  }
0x5: {  	s23 =	sshll.u32 s9, $0x11;
	s3 =	sshll.u32 s0, $0x4;
	s5 =	ssub.s32 $0x2, s0  }
0x6: {  	s0 =	sshll.u32 s0, $0x7;
	s10 =	sor.u32 $0x8000, s8;
	s4 =	sor.u32 s9, s3  }
0x7: {  	s3 =	simm.s32 $0x0;
	s22 =	sshrl.u32 s5, $0x1;
	s9 =	sor.u32 $0x6000, s8  }
0x8: {  	s13 =	sshll.u32 s10, $0x1;
	s4 =	smul.u32 $0x4E2, s4;
	[smem:$0x7FF] =	sst s3  }
0x9: {  	s12 =	sshll.u32 s9, $0x1;
	s13 =	sor.u32 s0, s13;
	_ =	strace $0x80000047  }
0xa: {  	[dreg:$0x4] =	wrdreg s7;
	s7 =	ssub.s32 s5, s22;
	s5 =	sadd.s32 s8, s25  }
0xb: {  	s14 =	sor.u32 s0, s12;
	s21 =	sshrl.u32 s13, $0x3;
	s6 =	sadd.s32 s4, s1  }
0xc: {  	s1 =	sadd.s32 $0x5B000, s1;
	s2 =	sadd.s32 s2, s4;
	s7 =	smax.u32 s7, $0x1  }
0xd: {  	s4 =	sor.u32 s0, s23;
	s23 =	sor.u32 $0xA000, s8;
	s20 =	sshrl.u32 s14, $0x3  }
0xe: {  	s28 =	sadd.s32 $0x8000, s5;
	s29 =	sadd.s32 $0xA000, s5;
	s30 =	sadd.s32 $0xC000, s5  }
0xf: {  	s31 =	sadd.s32 $0xE000, s5;
	s6 =	sadd.s32 $0x50C00, s6;
	[dreg:$0x6] =	wrdreg s2  }
0x10: {  	s2 =	sor.u32 $0x2000, s8;
	[dreg:$0x7] =	wrdreg s7;
	s7 =	sor.u32 $0x4000, s8  }
0x11: {  	s26 =	sshll.u32 s23, $0x1;
	s4 =	sshrl.u32 s4, $0x3;
	s13 =	sadd.s32 s1, s20  }
0x12: {  	s14 =	sadd.s32 s1, s21;
	s21 =	sadd.s32 s9, s25;
	s23 =	sadd.s32 s23, s25  }
0x13: {  	[dreg:$0x5] =	wrdreg s6;
	s24 =	sshll.u32 s2, $0x1;
	s11 =	sshll.u32 s7, $0x1  }
0x14: {  	s17 =	sor.u32 s0, s26;
	s4 =	sadd.s32 s1, s4;
	s20 =	sadd.s32 s7, s25  }
0x15: {  	s6 =	sor.u32 s0, s24;
	s11 =	sor.u32 s0, s11;
	s24 =	sor.u32 $0xC000, s8  }
0x16: {  	s8 =	sor.u32 $0xE000, s8;
	[dreg:$0x9] =	wrdreg s4;
	s22 =	sshrl.u32 s17, $0x3  }
0x17: {  	s4 =	simm.s32 $0x80;
	s15 =	sshll.u32 s24, $0x1;
	s16 =	sshll.u32 s8, $0x1  }
0x18: {  	s6 =	sshrl.u32 s6, $0x3;
	s19 =	sshrl.u32 s11, $0x3;
	s24 =	sadd.s32 s24, s25  }
0x19: {  	s18 =	sor.u32 s0, s15;
	s0 =	sor.u32 s0, s16;
	s15 =	sadd.s32 $0x2000, s5  }
0x1a: {  	s16 =	sadd.s32 s1, s6;
	s12 =	sadd.s32 s1, s19;
	s19 =	sadd.s32 s2, s25  }
0x1b: {  	s2 =	simm.s32 $0x4F00;
	s6 =	simm.s32 $0x100;
	[dreg:$0x8] =	wrdreg s15  }
0x1c: {  	[dreg:$0xa] =	wrdreg s16;
	s15 =	sadd.s32 s1, s22;
	s26 =	sshrl.u32 s18, $0x3  }
0x1d: {  	s0 =	sshrl.u32 s0, $0x3;
	s18 =	sadd.s32 $0x4000, s5;
	s22 =	sadd.s32 s10, s25  }
0x1e: {  	s25 =	sadd.s32 s8, s25;
	s16 =	sadd.s32 s1, s26;
	s17 =	sadd.s32 s1, s0  }
0x1f: {  	v0 =	vimm.f32 $0.0e+00;
	s26 =	sadd.s32 $0x6000, s5;
	s1 =	simm.s32 $0xC700;
	s0 =	simm.s32 $0x1  }
.LBB2_1:
0x20: {  	s7 =	simm.s32 $0x40;
	s8 =	simm.s32 $0x0  }
.LBB2_2:
0x21: {  	p0 =	sne.s32 s7, $0x7FC0;
	[tilespmem:s8+$0xC700] =	vst v0;
	s8 =	smov.u32 s7;
	s7 =	sadd.s32 $0x40, s7  }
.Ltmp0:
0x22: {  	(pc) =	sbr.rel @p0 .LBB2_2-.Ltmp0, $2  }
0x23: {  	_ =	sdelay $0x2  }
0x24: {  	s8 =	sshra.s32 s8, $0x2  }
0x25: {  	[tilespmem:s8+$0xC700] =	vst v0  }
0x26: {  	[spmem:s5] =	stream.linear.scatter [tilespmem:s1], [sflag:$0x1], $0x2000, $0x38;
	[tilespmem:$0x1E700] =	vst v63  }
0x27: {  	_ =	swait.ge [sflag:s0], $0x2000  }
0x28: {  	[sflag:s0] =	ssyncset.done $0x0  }
0x29: {  	s7 =	rddreg [dreg:$0x8];
	[sflag:s0] =	ssyncadd.s32 $0xFFFFE000  }
0x2a: {  	[spmem:s7] =	stream.linear.scatter [tilespmem:s1], [sflag:$0x1], $0x2000, $0x38;
	[tilespmem:$0x1E700] =	vst v63  }
0x2b: {  	_ =	swait.ge [sflag:s0], $0x2000  }
0x2c: {  	[sflag:s0] =	ssyncset.done $0x0  }
0x2d: {  	[sflag:s0] =	ssyncadd.s32 $0xFFFFE000  }
0x2e: {  	[spmem:s18] =	stream.linear.scatter [tilespmem:s1], [sflag:$0x1], $0x2000, $0x38;
	[tilespmem:$0x1E700] =	vst v63  }
0x2f: {  	_ =	swait.ge [sflag:s0], $0x2000  }
0x30: {  	[sflag:s0] =	ssyncset.done $0x0  }
0x31: {  	[sflag:s0] =	ssyncadd.s32 $0xFFFFE000  }
0x32: {  	[spmem:s26] =	stream.linear.scatter [tilespmem:s1], [sflag:$0x1], $0x2000, $0x38;
	[tilespmem:$0x1E700] =	vst v63  }
0x33: {  	_ =	swait.ge [sflag:s0], $0x2000  }
0x34: {  	[sflag:s0] =	ssyncset.done $0x0  }
0x35: {  	[sflag:s0] =	ssyncadd.s32 $0xFFFFE000  }
0x36: {  	[spmem:s28] =	stream.linear.scatter [tilespmem:s1], [sflag:$0x1], $0x2000, $0x38;
	[tilespmem:$0x1E700] =	vst v63  }
0x37: {  	_ =	swait.ge [sflag:s0], $0x2000  }
0x38: {  	[sflag:s0] =	ssyncset.done $0x0  }
0x39: {  	[sflag:s0] =	ssyncadd.s32 $0xFFFFE000  }
0x3a: {  	[spmem:s29] =	stream.linear.scatter [tilespmem:s1], [sflag:$0x1], $0x2000, $0x38;
	[tilespmem:$0x1E700] =	vst v63  }
0x3b: {  	_ =	swait.ge [sflag:s0], $0x2000  }
0x3c: {  	[sflag:s0] =	ssyncset.done $0x0  }
0x3d: {  	[sflag:s0] =	ssyncadd.s32 $0xFFFFE000  }
0x3e: {  	[spmem:s30] =	stream.linear.scatter [tilespmem:s1], [sflag:$0x1], $0x2000, $0x38;
	[tilespmem:$0x1E700] =	vst v63  }
0x3f: {  	_ =	swait.ge [sflag:s0], $0x2000  }
0x40: {  	[sflag:s0] =	ssyncset.done $0x0  }
0x41: {  	[sflag:s0] =	ssyncadd.s32 $0xFFFFE000  }
0x42: {  	[spmem:s31] =	stream.linear.scatter [tilespmem:s1], [sflag:$0x1], $0x2000, $0x38;
	[tilespmem:$0x1E700] =	vst v63  }
0x43: {  	_ =	swait.ge [sflag:s0], $0x2000  }
0x44: {  	[sflag:s0] =	ssyncset.done $0x0  }
0x45: {  	[sflag:s0] =	ssyncadd.s32 $0xFFFFE000  }
0x46: {  	[bflag:$0x0] =	sbarrier.arrive $0xFFFF  }
0x47: {  	s7 =	simm.s32 $0x0;
	s9 =	rddreg [dreg:$0x5]  }
0x48: {  	[tilespmem:s7], [sflag:$0x1] =	stream.linear.gather [hbm4b:s9+s7], $0x2710, $0x38;
	[tilespmem:$0x1E700] =	vst v63  }
0x49: {  	_ =	swait.ge [sflag:s0], $0x2710  }
0x4a: {  	[sflag:s0] =	ssyncset.done $0x0  }
0x4b: {  	s9 =	simm.s32 $0x2780;
	s10 =	rddreg [dreg:$0x6];
	[sflag:s0] =	ssyncadd.s32 $0xFFFFD8F0  }
0x4c: {  	[tilespmem:s9], [sflag:$0x1] =	stream.linear.gather [hbm4b:s10+s7], $0x2710, $0x38;
	[tilespmem:$0x1E700] =	vst v63  }
0x4d: {  	_ =	swait.ge [sflag:s0], $0x2710  }
0x4e: {  	[sflag:s0] =	ssyncset.done $0x0  }
0x4f: {  	s11 =	rddreg [dreg:$0x4];
	[sflag:s0] =	ssyncadd.s32 $0xFFFFD8F0  }
0x50: {  	[tilespmem:s2], [sflag:$0x1] =	stream.linear.gather [hbm4b:s11+s7], $0x2800, $0x38;
	[tilespmem:$0x1E700] =	vst v63  }
0x51: {  	_ =	swait.ge [sflag:s0], $0x2800  }
0x52: {  	p0 =	por $0x1, $0x1;
	[sflag:s0] =	ssyncset.done $0x0  }
0x53: {  	s7 =	simm.s32 @!p0 $0x0;
	[sflag:s0] =	ssyncadd.s32 $0xFFFFD800  }
0x54: {  	v1 =	vld [tilespmem:s7+$0x2780]  }
0x55: {  	v2 =	vld [tilespmem:s7+$0x0];
	_ =	sdelay $0x6  }
0x56: {  	v1 =	vld.idx.msk [tilespmem:v1+s2+$0x0], $0xffff  }
0x57: {  	v2 =	vld.idx.msk [tilespmem:v2+s2+$0x0], $0xffff;
	_ =	sdelay $0x3  }
0x58: {  	v1 =	vshll.u32 v1, $0xA  }
0x59: {  	s9 =	simm.f32 $1.000000000e+00;
	v1 =	vadd.s32 v2, v1  }
0x5a: {  	s9 =	simm.s32 @!p0 $0x0;
	s7 =	simm.s32 $0x7700;
	v1 =	vpsel !p0, $0xFFFFF, v1  }
0x5b: {  	s8 =	simm.s32 $0x9F00;
	v2 =	vmov s9;
	s9 =	simm.s32 $0x10;
	p0 =	por $0x1, $0x1;
	[tilespmem:s7+$0x0] =	vst v1  }
0x5c: {  	s10 =	simm.s32 $0x2;
	s11 =	simm.s32 $0x10;
	s9 =	simm.s32 @!p0 $0x0;
	[tilespmem:s8+$0x0] =	vst v2  }
.LBB2_4:
0x5d: {  	p1 =	sne.s32 s10, $0x27F;
	v1 =	vld [tilespmem:s9+$0x2780]  }
0x5e: {  	v2 =	vld [tilespmem:s9+$0x0];
	_ =	sdelay $0x6  }
0x5f: {  	v1 =	vld.idx.msk [tilespmem:v1+s2+$0x0], $0xffff  }
0x60: {  	v2 =	vld.idx.msk [tilespmem:v2+s2+$0x0], $0xffff;
	_ =	sdelay $0x4  }
.Ltmp1:
0x61: {  	v1 =	vshll.u32 v1, $0xA;
	(pc) =	sbr.rel @p1 .LBB2_4-.Ltmp1, $4  }
0x62: {  	s9 =	simm.f32 $1.000000000e+00;
	v1 =	vadd.s32 v2, v1  }
0x63: {  	s7 =	sadd.s32 $0x10, s7;
	s11 =	sadd.s32 $0x10, s11;
	s9 =	simm.s32 @!p0 $0x0;
	v1 =	vpsel !p0, $0xFFFFF, v1  }
0x64: {  	s8 =	sadd.s32 $0x10, s8;
	v2 =	vmov s9;
	s9 =	smov.u32 s11;
	p0 =	slt.u32 s10, $0x271;
	[tilespmem:s7+$0x0] =	vst v1  }
0x65: {  	s10 =	sadd.s32 $0x1, s10;
	s9 =	simm.s32 @!p0 $0x0;
	[tilespmem:s8+$0x0] =	vst v2  }
0x66: {  	v1 =	vld [tilespmem:s9+$0x2780]  }
0x67: {  	v2 =	vld [tilespmem:s9+$0x0];
	_ =	sdelay $0x6  }
0x68: {  	v1 =	vld.idx.msk [tilespmem:v1+s2+$0x0], $0xffff  }
0x69: {  	v2 =	vld.idx.msk [tilespmem:v2+s2+$0x0], $0xffff;
	_ =	sdelay $0x3  }
0x6a: {  	v1 =	vshll.u32 v1, $0xA  }
0x6b: {  	s9 =	simm.f32 $1.000000000e+00;
	v1 =	vadd.s32 v2, v1  }
0x6c: {  	s7 =	sadd.s32 $0x10, s7;
	s9 =	simm.s32 @!p0 $0x0;
	v1 =	vpsel !p0, $0xFFFFF, v1  }
0x6d: {  	s11 =	sadd.s32 $0x10, s8;
	s8 =	rddreg [dreg:$0x2];
	v2 =	vmov s9;
	[tilespmem:s7+$0x0] =	vst v1  }
0x6e: {  	s10 =	simm.s32 $0x9F00;
	s9 =	simm.s32 $0x2800;
	[tilespmem:s11+$0x0] =	vst v2;
	s11 =	simm.s32 $0x7700  }
0x6f: {  	[spmem:s8] =	stream.indirect.scatter.add.f32 [tilespmem:s10], [sflag:$0x1], $0x1, s11, s9, $0xb8;
	[tilespmem:$0x1E700] =	vst v63  }
0x70: {  	_ =	swait.ge [sflag:s0], $0x2800  }
0x71: {  	[sflag:s0] =	ssyncset.done $0x0  }
0x72: {  	[sflag:s0] =	ssyncadd.s32 $0xFFFFD800  }
0x73: {  	[bflag:$0x0] =	sbarrier.arrive $0xFFFF  }
0x74: {  	[tilespmem:s1], [sflag:$0x1] =	stream.linear.gather [spmem:s5], $0x2000, $0x38;
	[tilespmem:$0x1E700] =	vst v63  }
0x75: {  	_ =	swait.ge [sflag:s0], $0x2000  }
0x76: {  	[sflag:s0] =	ssyncset.done $0x0  }
0x77: {  	s9 =	rddreg [dreg:$0x9];
	[sflag:s0] =	ssyncadd.s32 $0xFFFFE000  }
0x78: {  	[hbm4b:s9+s4] =	stream.strided.scatter [tilespmem:s1], [sflag:$0x1], $0x2000, s6, s4, $0x38;
	[tilespmem:$0x1E700] =	vst v63  }
0x79: {  	_ =	swait.ge [sflag:s0], $0x2000  }
0x7a: {  	[sflag:s0] =	ssyncset.done $0x0  }
0x7b: {  	[sflag:s0] =	ssyncadd.s32 $0xFFFFE000  }
0x7c: {  	[tilespmem:s1], [sflag:$0x1] =	stream.linear.gather [spmem:s19], $0x2000, $0x38;
	[tilespmem:$0x1E700] =	vst v63  }
0x7d: {  	_ =	swait.ge [sflag:s0], $0x2000  }
0x7e: {  	[sflag:s0] =	ssyncset.done $0x0  }
0x7f: {  	s10 =	rddreg [dreg:$0xa];
	[sflag:s0] =	ssyncadd.s32 $0xFFFFE000  }
0x80: {  	[hbm4b:s10+s4] =	stream.strided.scatter [tilespmem:s1], [sflag:$0x1], $0x2000, s6, s4, $0x38;
	[tilespmem:$0x1E700] =	vst v63  }
0x81: {  	_ =	swait.ge [sflag:s0], $0x2000  }
0x82: {  	[sflag:s0] =	ssyncset.done $0x0  }
0x83: {  	[sflag:s0] =	ssyncadd.s32 $0xFFFFE000  }
0x84: {  	[tilespmem:s1], [sflag:$0x1] =	stream.linear.gather [spmem:s20], $0x2000, $0x38;
	[tilespmem:$0x1E700] =	vst v63  }
0x85: {  	_ =	swait.ge [sflag:s0], $0x2000  }
0x86: {  	[sflag:s0] =	ssyncset.done $0x0  }
0x87: {  	[sflag:s0] =	ssyncadd.s32 $0xFFFFE000  }
0x88: {  	[hbm4b:s12+s4] =	stream.strided.scatter [tilespmem:s1], [sflag:$0x1], $0x2000, s6, s4, $0x38;
	[tilespmem:$0x1E700] =	vst v63  }
0x89: {  	_ =	swait.ge [sflag:s0], $0x2000  }
0x8a: {  	[sflag:s0] =	ssyncset.done $0x0  }
0x8b: {  	[sflag:s0] =	ssyncadd.s32 $0xFFFFE000  }
0x8c: {  	[tilespmem:s1], [sflag:$0x1] =	stream.linear.gather [spmem:s21], $0x2000, $0x38;
	[tilespmem:$0x1E700] =	vst v63  }
0x8d: {  	_ =	swait.ge [sflag:s0], $0x2000  }
0x8e: {  	[sflag:s0] =	ssyncset.done $0x0  }
0x8f: {  	[sflag:s0] =	ssyncadd.s32 $0xFFFFE000  }
0x90: {  	[hbm4b:s13+s4] =	stream.strided.scatter [tilespmem:s1], [sflag:$0x1], $0x2000, s6, s4, $0x38;
	[tilespmem:$0x1E700] =	vst v63  }
0x91: {  	_ =	swait.ge [sflag:s0], $0x2000  }
0x92: {  	[sflag:s0] =	ssyncset.done $0x0  }
0x93: {  	[sflag:s0] =	ssyncadd.s32 $0xFFFFE000  }
0x94: {  	[tilespmem:s1], [sflag:$0x1] =	stream.linear.gather [spmem:s22], $0x2000, $0x38;
	[tilespmem:$0x1E700] =	vst v63  }
0x95: {  	_ =	swait.ge [sflag:s0], $0x2000  }
0x96: {  	[sflag:s0] =	ssyncset.done $0x0  }
0x97: {  	[sflag:s0] =	ssyncadd.s32 $0xFFFFE000  }
0x98: {  	[hbm4b:s14+s4] =	stream.strided.scatter [tilespmem:s1], [sflag:$0x1], $0x2000, s6, s4, $0x38;
	[tilespmem:$0x1E700] =	vst v63  }
0x99: {  	_ =	swait.ge [sflag:s0], $0x2000  }
0x9a: {  	[sflag:s0] =	ssyncset.done $0x0  }
0x9b: {  	[sflag:s0] =	ssyncadd.s32 $0xFFFFE000  }
0x9c: {  	[tilespmem:s1], [sflag:$0x1] =	stream.linear.gather [spmem:s23], $0x2000, $0x38;
	[tilespmem:$0x1E700] =	vst v63  }
0x9d: {  	_ =	swait.ge [sflag:s0], $0x2000  }
0x9e: {  	[sflag:s0] =	ssyncset.done $0x0  }
0x9f: {  	[sflag:s0] =	ssyncadd.s32 $0xFFFFE000  }
0xa0: {  	[hbm4b:s15+s4] =	stream.strided.scatter [tilespmem:s1], [sflag:$0x1], $0x2000, s6, s4, $0x38;
	[tilespmem:$0x1E700] =	vst v63  }
0xa1: {  	_ =	swait.ge [sflag:s0], $0x2000  }
0xa2: {  	[sflag:s0] =	ssyncset.done $0x0  }
0xa3: {  	[sflag:s0] =	ssyncadd.s32 $0xFFFFE000  }
0xa4: {  	[tilespmem:s1], [sflag:$0x1] =	stream.linear.gather [spmem:s24], $0x2000, $0x38;
	[tilespmem:$0x1E700] =	vst v63  }
0xa5: {  	_ =	swait.ge [sflag:s0], $0x2000  }
0xa6: {  	[sflag:s0] =	ssyncset.done $0x0  }
0xa7: {  	[sflag:s0] =	ssyncadd.s32 $0xFFFFE000  }
0xa8: {  	[hbm4b:s16+s4] =	stream.strided.scatter [tilespmem:s1], [sflag:$0x1], $0x2000, s6, s4, $0x38;
	[tilespmem:$0x1E700] =	vst v63  }
0xa9: {  	_ =	swait.ge [sflag:s0], $0x2000  }
0xaa: {  	[sflag:s0] =	ssyncset.done $0x0  }
0xab: {  	[sflag:s0] =	ssyncadd.s32 $0xFFFFE000  }
0xac: {  	[tilespmem:s1], [sflag:$0x1] =	stream.linear.gather [spmem:s25], $0x2000, $0x38;
	[tilespmem:$0x1E700] =	vst v63  }
0xad: {  	_ =	swait.ge [sflag:s0], $0x2000  }
0xae: {  	[sflag:s0] =	ssyncset.done $0x0  }
0xaf: {  	[sflag:s0] =	ssyncadd.s32 $0xFFFFE000  }
0xb0: {  	[hbm4b:s17+s4] =	stream.strided.scatter [tilespmem:s1], [sflag:$0x1], $0x2000, s6, s4, $0x38;
	[tilespmem:$0x1E700] =	vst v63  }
0xb1: {  	_ =	swait.ge [sflag:s0], $0x2000  }
0xb2: {  	s3 =	sadd.s32 $0x1, s3;
	s11 =	rddreg [dreg:$0x7]  }
0xb3: {  	p0 =	sne.s32 s3, s11  }
.Ltmp2:
0xb4: {  	_ = 	snop;
	(pc) =	sbr.rel @p0 .LBB2_1-.Ltmp2, $3  }
0xb5: {  	_ =	sdelay $0x1  }
0xb6: {  	[sflag:s0] =	ssyncset.done $0x0  }
0xb7: {  	[sflag:s0] =	ssyncadd.s32 $0xFFFFE000  }
0xb8: {  	_ =	sfence.sel $0x180000  }
0xb9: {  	[bflag:$0x0] =	sbarrier.arrive $0xFFFF  }
0xba: {  	_ =	strace $0x90000047  }
0xbb: {  	s0 =	stileid.u32;
	[bflag:$0x2] =	sbarrier.arrive $0xFFFF  }
0xbc: {  	p0 =	sne.s32 s0, $0x0;
	s0 =	rddreg [dreg:$0x3]  }
0xbd: {  	s0 =	sadd.s32 @!p0 $0x100000, s0  }
0xbe: {  	[sflag:s0] =	ssyncadd.tile.s32 @!p0 $0x1;
	_ =	shalt  }
.Lfunc_end2:
_tile_overlayer_lowered:
.L_overlay_start_2:
0xbf: {  	(tag) =	ssettag $0x2  }
0xc0: {  	s0 =	rddreg [dreg:$0x0];
	s2 =	stileid.u32  }
0xc1: {  	s1 =	rddreg [dreg:$0x1];
	p0 =	sne.s32 s2, $0x0  }
0xc2: {  	s3 =	rddreg [dreg:$0x2];
	[bflag:$0x3] =	sbarrier.arrive $0xFFFF;
	s2 =	simm.s32 @!p0 $0x1C01  }
0xc3: {  	[timem:s3], [sflag:s2] =	dma.local @!p0 [hbm:s0], s1  }
0xc4: {  	s0 =	simm.s32 @!p0 $0x1  }
0xc5: {  	_ =	swait.ge @!p0 [sflag:s0], s1  }
0xc6: {  	s1 =	ssub.s32 @!p0 $0x0, s1;
	[sflag:s0] =	ssyncset.done @!p0 $0x0  }
0xc7: {  	[sflag:s0] =	ssyncadd.s32 @!p0 s1  }
0xc8: {  	[bflag:$0x3] =	sbarrier.arrive $0xFFFF  }
0xc9: {  	_ =	shalt  }

</sc_bundles>
